<compile_context>
chip_gen: v7x
topology: tpu7x:2x2x1
jax: 0.10.2.dev20260603
libtpu: 0.0.44.dev20260713+nightly
codegen_flags: <defaults>
</compile_context>

<pallas_src>
import functools

import jax
import jax.numpy as jnp
from jax import lax
from jax.experimental import pallas as pl
from jax.experimental.pallas import tpu as pltpu
from jax.experimental.pallas import tpu_sc as plsc

_B, _C, _N, _K = 1, 128, 10000, 32
_OUT = 128
_NW = 32
_NPAD = 10240
_CH = 4
_EPC = _CH * _K
_BLANES = 32
_D = _OUT // _BLANES

_PAIR_CHUNKS = _NPAD // 16 // _CH
_CF = 112
_CS = _PAIR_CHUNKS - _CF

_NBUF = 3
_NOBUF = 2


def _tables_body(x_ref, w_ref, b_ref, u_ref, v_ref):
    w1 = w_ref[:, :_C]
    w2 = w_ref[:, _C:]
    a = w1 - w2
    xb = x_ref[...]
    dn = (((0,), (1,)), ((), ()))
    u = lax.dot_general(xb, a, dn, precision=lax.Precision.HIGHEST,
                        preferred_element_type=jnp.float32)
    v = lax.dot_general(xb, w2, dn, precision=lax.Precision.HIGHEST,
                        preferred_element_type=jnp.float32)
    u_ref[...] = (u + b_ref[...]).astype(jnp.bfloat16)
    v_ref[...] = v.astype(jnp.bfloat16)


_TBLK = 2048


def _make_tables(x2, w, b2):
    grid = (_NPAD // _TBLK,)
    return pl.pallas_call(
        _tables_body,
        grid=grid,
        in_specs=[
            pl.BlockSpec((_C, _TBLK), lambda i: (0, i)),
            pl.BlockSpec((_OUT, 2 * _C), lambda i: (0, 0)),
            pl.BlockSpec((1, _OUT), lambda i: (0, 0)),
        ],
        out_specs=[
            pl.BlockSpec((_TBLK, _OUT), lambda i: (i, 0)),
            pl.BlockSpec((_TBLK, _OUT), lambda i: (i, 0)),
        ],
        out_shape=[
            jax.ShapeDtypeStruct((_NPAD, _OUT), jnp.bfloat16),
            jax.ShapeDtypeStruct((_NPAD, _OUT), jnp.bfloat16),
        ],
    )(x2, w, b2)


def _edge_body(u_hbm, v_hbm, i1_hbm, i0_hbm, out_hbm, i1w, i0w, buf, obuf,
               sem_u, sem_v, sem_s):
    c = lax.axis_index("c")
    s = lax.axis_index("s")
    my_chunks = jnp.where(c == 0, _CF, _CS)
    chunk_base = s * _PAIR_CHUNKS + c * _CF

    pltpu.sync_copy(i1_hbm.at[pl.ds(chunk_base, _CF)], i1w)
    pltpu.sync_copy(i0_hbm.at[pl.ds(chunk_base, _CF)], i0w)

    def u_desc(g):
        base = lax.rem(g, _NBUF) * _EPC
        return pltpu.make_async_copy(
            u_hbm.at[i1w.at[g]], buf.at[pl.ds(base, _EPC)], sem_u
        )

    def v_desc(g):
        base = lax.rem(g, _NBUF) * _EPC
        return pltpu.make_async_copy(
            v_hbm.at[i0w.at[g]], buf.at[pl.ds(base, _EPC)], sem_v
        )

    def s_desc(p):
        node_base = (chunk_base + 2 * p) * _CH
        obase = lax.rem(p, _NOBUF) * 2 * _CH
        return pltpu.make_async_copy(
            obuf.at[pl.ds(obase, 2 * _CH)],
            out_hbm.at[pl.ds(node_base, 2 * _CH)],
            sem_s,
        )

    u_desc(0).start()
    u_desc(0).wait()
    v_desc(0).start(add=True)
    u_desc(1).start()

    def chunk_body(g, carry):
        @pl.when(g + 1 < my_chunks)
        def _():
            u_desc(g + 1).wait()
            v_desc(g + 1).start(add=True)

        @pl.when(g + 2 < my_chunks)
        def _():
            u_desc(g + 2).start()

        v_desc(g).wait()

        p = g // 2

        @pl.when((lax.rem(g, 2) == 0) & (p >= _NOBUF))
        def _():
            s_desc(p - _NOBUF).wait()

        bufbase = lax.rem(g, _NBUF) * _EPC
        obase = lax.rem(p, _NOBUF) * 2 * _CH + lax.rem(g, 2) * _CH
        for n in range(_CH):
            base = bufbase + n * _K

            def kstep(k, accs, base=base):
                return tuple(
                    jnp.maximum(
                        accs[d], buf[base + k, pl.ds(d * _BLANES, _BLANES)]
                    )
                    for d in range(_D)
                )

            zeros = tuple(
                jnp.zeros((_BLANES,), jnp.bfloat16) for _ in range(_D)
            )
            accs = lax.fori_loop(0, _K, kstep, zeros)
            for d in range(_D):
                obuf[obase + n, pl.ds(d * _BLANES, _BLANES)] = accs[d]

        @pl.when(lax.rem(g, 2) == 1)
        def _():
            s_desc(p).start()

        return carry

    lax.fori_loop(0, my_chunks, chunk_body, 0)

    s_desc(my_chunks // 2 - 2).wait()
    s_desc(my_chunks // 2 - 1).wait()


_edge_kernel = functools.partial(
    pl.kernel,
    out_type=jax.ShapeDtypeStruct((_NPAD, _OUT), jnp.bfloat16),
    mesh=plsc.VectorSubcoreMesh(core_axis_name="c", subcore_axis_name="s"),
    compiler_params=pltpu.CompilerParams(use_tc_tiling_on_sc=False),
    scratch_types=[
        pltpu.VMEM((_CF, 128), jnp.int32),
        pltpu.VMEM((_CF, 128), jnp.int32),
        pltpu.VMEM((_NBUF * _EPC, _OUT), jnp.bfloat16),
        pltpu.VMEM((_NOBUF * 2 * _CH, _OUT), jnp.bfloat16),
        pltpu.SemaphoreType.DMA,
        pltpu.SemaphoreType.DMA,
        pltpu.SemaphoreType.DMA,
    ],
)(_edge_body)


def kernel(x, edge_index, W, b):
    x2 = x[0, :, :, 0]
    x2 = jnp.pad(x2, ((0, 0), (0, _NPAD - _N)))
    u, v = _make_tables(x2, W, b.reshape(1, _OUT))

    def prep_idx(idx):
        idx = jnp.pad(idx, ((0, _NPAD - _N), (0, 0)))
        idx = idx.reshape(_NPAD * _K // 128, 128)
        return jnp.pad(idx, ((0, _CF), (0, 0)))

    i1 = prep_idx(edge_index[1, 0])
    i0 = prep_idx(edge_index[0, 0])
    outb = _edge_kernel(u, v, i1, i0)
    out = outb[:_N].astype(jnp.float32).T
    return out[None, :, :, None]

# --- scband reference (transcript-rebuilt; emitter-appended) ---
"""Pipeline reference for scband-graph-conv4-d-20289425506359 (READ-ONLY COPY).

The authoritative reference and input builder live on the scoring server;
editing this copy changes nothing except your own understanding.
"""

import jax, jax.numpy as jnp
import numpy as np

B, C, N, K = 1, 128, 10000, 32
OUT = 128


def batched_index_select(x, idx):
    # x: [B, C, N, 1], idx: [B, N, K] -> [B, C, N, K]
    xe = x[:, :, :, 0]
    Bq, Cq, Nq = xe.shape
    Kq = idx.shape[-1]
    idx_flat = idx.reshape(Bq, 1, Nq * Kq)
    idx_b = jnp.broadcast_to(idx_flat, (Bq, Cq, Nq * Kq))
    g = jnp.take_along_axis(xe, idx_b, axis=2)
    return g.reshape(Bq, Cq, Nq, Kq)


def setup_inputs(seed: int = 0):
    key = jax.random.key(seed)
    k1, k2, k3, k4 = jax.random.split(key, 4)
    x = jax.random.normal(k1, (B, C, N, 1), dtype=jnp.float32)
    edge_index = jax.random.randint(k2, (2, B, N, K), 0, N, dtype=jnp.int32)
    # BasicConv([2*C, OUT]) == 1x1 Conv2d(2C -> OUT, bias=True) + ReLU
    W = jax.random.normal(k3, (OUT, 2 * C), dtype=jnp.float32) * (1.0 / np.sqrt(2 * C))
    b = jax.random.normal(k4, (OUT,), dtype=jnp.float32) * 0.01
    return {"x": x, "edge_index": edge_index, "W": W, "b": b}


def reference(x, edge_index, W, b):
    # EdgeConv4D.forward
    x_i = batched_index_select(x, edge_index[1])  # center nodes [B, C, N, K]
    x_j = batched_index_select(x, edge_index[0])  # neighbor nodes [B, C, N, K]
    feat = jnp.concatenate([x_i, x_j - x_i], axis=1)  # [B, 2C, N, K]
    y = jnp.einsum('oc,bcnk->bonk', W, feat) + b[None, :, None, None]
    y = jax.nn.relu(y)
    max_value = jnp.max(y, axis=-1, keepdims=True)  # [B, OUT, N, 1]
    return max_value

if __name__ == "__main__":
    import jax
    _d = setup_inputs()
    print(jax.jit(kernel)(*tuple(_d.values())))

</pallas_src>

<mosaic_0001>
#map = affine_map<(d0, d1) -> (0, 0)>
module attributes {stable_mosaic.version = 14 : i64} {
  func.func @_edge_body(%arg0: i32, %arg1: i32, %arg2: memref<10240x128xbf16, #tpu.memory_space<hbm>>, %arg3: memref<10240x128xbf16, #tpu.memory_space<hbm>>, %arg4: memref<2672x128xi32, #tpu.memory_space<hbm>>, %arg5: memref<2672x128xi32, #tpu.memory_space<hbm>>, %arg6: memref<10240x128xbf16, #tpu.memory_space<hbm>>, %arg7: memref<112x128xi32, #tpu.memory_space<vmem>>, %arg8: memref<112x128xi32, #tpu.memory_space<vmem>>, %arg9: memref<384x128xbf16, #tpu.memory_space<vmem>>, %arg10: memref<16x128xbf16, #tpu.memory_space<vmem>>, %arg11: memref<!tpu.dma_semaphore, #tpu.memory_space<semaphore_mem>>, %arg12: memref<!tpu.dma_semaphore, #tpu.memory_space<semaphore_mem>>, %arg13: memref<!tpu.dma_semaphore, #tpu.memory_space<semaphore_mem>>) attributes {dimension_semantics = [#tpu.dimension_semantics<core_parallel>, #tpu.dimension_semantics<subcore_parallel>], iteration_bounds = array<i64: 2, 16>, scalar_prefetch = 0 : i64, scratch_operands = 7 : i64, tpu.core_type = #tpu.core_type<sc_vector_subcore>, window_params = [{transform_indices = #map}, {transform_indices = #map}, {transform_indices = #map}, {transform_indices = #map}, {transform_indices = #map}]} {
    %eq3A = arith.constant 0 : i32
    %eq3A_0 = arith.cmpi eq, %arg0, %eq3A : i32
    %jit3A = arith.constant 112 : i32
    %jit3A_1 = arith.constant 48 : i32
    %select_n3A = arith.select %eq3A_0, %jit3A, %jit3A_1 : i32
    %mul3A = arith.constant 160 : i32
    %mul3A_2 = arith.muli %arg1, %mul3A : i32
    %mul3A_3 = arith.constant 112 : i32
    %mul3A_4 = arith.muli %arg0, %mul3A_3 : i32
    %add3A = arith.addi %mul3A_2, %mul3A_4 : i32
    "tpu.region"() ({
      %run_scoped3A = tpu.sem_alloc : memref<!tpu.dma_semaphore, #tpu.memory_space<semaphore_mem>>
      %dma_start3A_152 = arith.constant 0 : i32
      %dma_start3A_153 = tpu.memref_slice %arg4[%add3A, %dma_start3A_152] : memref<2672x128xi32, #tpu.memory_space<hbm>> -> memref<112x128xi32, #tpu.memory_space<hbm>>
      %dma_start3A_154 = arith.constant 0 : i32
      %dma_start3A_155 = tpu.memref_slice %arg4[%add3A, %dma_start3A_154] : memref<2672x128xi32, #tpu.memory_space<hbm>> -> memref<112x128xi32, #tpu.memory_space<hbm>>
      tpu.enqueue_dma source(%dma_start3A_155 : memref<112x128xi32, #tpu.memory_space<hbm>>) target(%arg7 : memref<112x128xi32, #tpu.memory_space<vmem>>) target_semaphore(%run_scoped3A : memref<!tpu.dma_semaphore, #tpu.memory_space<semaphore_mem>>)
      %dma_wait3A_156 = arith.constant 0 : i32
      %dma_wait3A_157 = tpu.memref_slice %arg4[%add3A, %dma_wait3A_156] : memref<2672x128xi32, #tpu.memory_space<hbm>> -> memref<112x128xi32, #tpu.memory_space<hbm>>
      %dma_wait3A_158 = arith.constant 0 : i32
      %dma_wait3A_159 = tpu.memref_slice %arg4[%add3A, %dma_wait3A_158] : memref<2672x128xi32, #tpu.memory_space<hbm>> -> memref<112x128xi32, #tpu.memory_space<hbm>>
      tpu.wait_dma2 semaphore(%run_scoped3A : memref<!tpu.dma_semaphore, #tpu.memory_space<semaphore_mem>>) src(%dma_wait3A_159 : memref<112x128xi32, #tpu.memory_space<hbm>>) dst(%arg7 : memref<112x128xi32, #tpu.memory_space<vmem>>)
      tpu.yield
    }) : () -> ()
    "tpu.region"() ({
      %run_scoped3A = tpu.sem_alloc : memref<!tpu.dma_semaphore, #tpu.memory_space<semaphore_mem>>
      %dma_start3A_152 = arith.constant 0 : i32
      %dma_start3A_153 = tpu.memref_slice %arg5[%add3A, %dma_start3A_152] : memref<2672x128xi32, #tpu.memory_space<hbm>> -> memref<112x128xi32, #tpu.memory_space<hbm>>
      %dma_start3A_154 = arith.constant 0 : i32
      %dma_start3A_155 = tpu.memref_slice %arg5[%add3A, %dma_start3A_154] : memref<2672x128xi32, #tpu.memory_space<hbm>> -> memref<112x128xi32, #tpu.memory_space<hbm>>
      tpu.enqueue_dma source(%dma_start3A_155 : memref<112x128xi32, #tpu.memory_space<hbm>>) target(%arg8 : memref<112x128xi32, #tpu.memory_space<vmem>>) target_semaphore(%run_scoped3A : memref<!tpu.dma_semaphore, #tpu.memory_space<semaphore_mem>>)
      %dma_wait3A_156 = arith.constant 0 : i32
      %dma_wait3A_157 = tpu.memref_slice %arg5[%add3A, %dma_wait3A_156] : memref<2672x128xi32, #tpu.memory_space<hbm>> -> memref<112x128xi32, #tpu.memory_space<hbm>>
      %dma_wait3A_158 = arith.constant 0 : i32
      %dma_wait3A_159 = tpu.memref_slice %arg5[%add3A, %dma_wait3A_158] : memref<2672x128xi32, #tpu.memory_space<hbm>> -> memref<112x128xi32, #tpu.memory_space<hbm>>
      tpu.wait_dma2 semaphore(%run_scoped3A : memref<!tpu.dma_semaphore, #tpu.memory_space<semaphore_mem>>) src(%dma_wait3A_159 : memref<112x128xi32, #tpu.memory_space<hbm>>) dst(%arg8 : memref<112x128xi32, #tpu.memory_space<vmem>>)
      tpu.yield
    }) : () -> ()
    %rem3A = arith.constant 0 : i32
    %rem3A_5 = arith.constant 3 : i32
    %rem3A_6 = arith.remsi %rem3A, %rem3A_5 : i32
    %mul3A_7 = arith.constant 128 : i32
    %mul3A_8 = arith.muli %rem3A_6, %mul3A_7 : i32
    %dma_start3A = arith.constant 0 : i32
    %dma_start3A_9 = arith.constant 0 : i32
    %dma_start3A_10 = tpu.memref_slice %arg9[%mul3A_8, %dma_start3A_9] : memref<384x128xbf16, #tpu.memory_space<vmem>> -> memref<128x128xbf16, #tpu.memory_space<vmem>>
    %dma_start3A_11 = arith.constant 0 : i32
    %dma_start3A_12 = tpu.memref_slice %arg7[%dma_start3A, %dma_start3A_11] : memref<112x128xi32, #tpu.memory_space<vmem>> -> memref<1x128xi32, #tpu.memory_space<vmem>>
    %dma_start3A_13 = tpu.memref_squeeze %dma_start3A_12 : memref<1x128xi32, #tpu.memory_space<vmem>> -> memref<128xi32, #tpu.memory_space<vmem>>
    %dma_start3A_14 = arith.constant 0 : i32
    %dma_start3A_15 = arith.constant 0 : i32
    %dma_start3A_16 = tpu.memref_slice %arg2[%dma_start3A_14, %dma_start3A_15] : memref<10240x128xbf16, #tpu.memory_space<hbm>> -> memref<10240x128xbf16, #tpu.memory_space<hbm>>
    tpu.enqueue_indirect_dma source(%dma_start3A_16 : memref<10240x128xbf16, #tpu.memory_space<hbm>>) target(%dma_start3A_10 : memref<128x128xbf16, #tpu.memory_space<vmem>>) offsets(%dma_start3A_13 : memref<128xi32, #tpu.memory_space<vmem>>) semaphore(%arg11 : memref<!tpu.dma_semaphore, #tpu.memory_space<semaphore_mem>>)
    %rem3A_17 = arith.constant 0 : i32
    %rem3A_18 = arith.constant 3 : i32
    %rem3A_19 = arith.remsi %rem3A_17, %rem3A_18 : i32
    %mul3A_20 = arith.constant 128 : i32
    %mul3A_21 = arith.muli %rem3A_19, %mul3A_20 : i32
    %dma_wait3A = arith.constant 0 : i32
    %dma_wait3A_22 = arith.constant 0 : i32
    %dma_wait3A_23 = tpu.memref_slice %arg9[%mul3A_21, %dma_wait3A_22] : memref<384x128xbf16, #tpu.memory_space<vmem>> -> memref<128x128xbf16, #tpu.memory_space<vmem>>
    %dma_wait3A_24 = arith.constant 0 : i32
    %dma_wait3A_25 = tpu.memref_slice %arg7[%dma_wait3A, %dma_wait3A_24] : memref<112x128xi32, #tpu.memory_space<vmem>> -> memref<1x128xi32, #tpu.memory_space<vmem>>
    %dma_wait3A_26 = tpu.memref_squeeze %dma_wait3A_25 : memref<1x128xi32, #tpu.memory_space<vmem>> -> memref<128xi32, #tpu.memory_space<vmem>>
    %dma_wait3A_27 = arith.constant 0 : i32
    %dma_wait3A_28 = arith.constant 0 : i32
    %dma_wait3A_29 = tpu.memref_slice %arg2[%dma_wait3A_27, %dma_wait3A_28] : memref<10240x128xbf16, #tpu.memory_space<hbm>> -> memref<10240x128xbf16, #tpu.memory_space<hbm>>
    tpu.wait_indirect_dma semaphore(%arg11 : memref<!tpu.dma_semaphore, #tpu.memory_space<semaphore_mem>>) src(%dma_wait3A_29 : memref<10240x128xbf16, #tpu.memory_space<hbm>>) dst(%dma_wait3A_23 : memref<128x128xbf16, #tpu.memory_space<vmem>>)
    %rem3A_30 = arith.constant 0 : i32
    %rem3A_31 = arith.constant 3 : i32
    %rem3A_32 = arith.remsi %rem3A_30, %rem3A_31 : i32
    %mul3A_33 = arith.constant 128 : i32
    %mul3A_34 = arith.muli %rem3A_32, %mul3A_33 : i32
    %dma_start3A_35 = arith.constant 0 : i32
    %dma_start3A_36 = arith.constant 0 : i32
    %dma_start3A_37 = tpu.memref_slice %arg9[%mul3A_34, %dma_start3A_36] : memref<384x128xbf16, #tpu.memory_space<vmem>> -> memref<128x128xbf16, #tpu.memory_space<vmem>>
    %dma_start3A_38 = arith.constant 0 : i32
    %dma_start3A_39 = tpu.memref_slice %arg8[%dma_start3A_35, %dma_start3A_38] : memref<112x128xi32, #tpu.memory_space<vmem>> -> memref<1x128xi32, #tpu.memory_space<vmem>>
    %dma_start3A_40 = tpu.memref_squeeze %dma_start3A_39 : memref<1x128xi32, #tpu.memory_space<vmem>> -> memref<128xi32, #tpu.memory_space<vmem>>
    %dma_start3A_41 = arith.constant 0 : i32
    %dma_start3A_42 = arith.constant 0 : i32
    %dma_start3A_43 = tpu.memref_slice %arg3[%dma_start3A_41, %dma_start3A_42] : memref<10240x128xbf16, #tpu.memory_space<hbm>> -> memref<10240x128xbf16, #tpu.memory_space<hbm>>
    tpu.enqueue_indirect_dma source(%dma_start3A_43 : memref<10240x128xbf16, #tpu.memory_space<hbm>>) target(%dma_start3A_37 : memref<128x128xbf16, #tpu.memory_space<vmem>>) offsets(%dma_start3A_40 : memref<128xi32, #tpu.memory_space<vmem>>) semaphore(%arg12 : memref<!tpu.dma_semaphore, #tpu.memory_space<semaphore_mem>>) {add = true}
    %rem3A_44 = arith.constant 1 : i32
    %rem3A_45 = arith.constant 3 : i32
    %rem3A_46 = arith.remsi %rem3A_44, %rem3A_45 : i32
    %mul3A_47 = arith.constant 128 : i32
    %mul3A_48 = arith.muli %rem3A_46, %mul3A_47 : i32
    %dma_start3A_49 = arith.constant 1 : i32
    %dma_start3A_50 = arith.constant 0 : i32
    %dma_start3A_51 = tpu.memref_slice %arg9[%mul3A_48, %dma_start3A_50] : memref<384x128xbf16, #tpu.memory_space<vmem>> -> memref<128x128xbf16, #tpu.memory_space<vmem>>
    %dma_start3A_52 = arith.constant 0 : i32
    %dma_start3A_53 = tpu.memref_slice %arg7[%dma_start3A_49, %dma_start3A_52] : memref<112x128xi32, #tpu.memory_space<vmem>> -> memref<1x128xi32, #tpu.memory_space<vmem>>
    %dma_start3A_54 = tpu.memref_squeeze %dma_start3A_53 : memref<1x128xi32, #tpu.memory_space<vmem>> -> memref<128xi32, #tpu.memory_space<vmem>>
    %dma_start3A_55 = arith.constant 0 : i32
    %dma_start3A_56 = arith.constant 0 : i32
    %dma_start3A_57 = tpu.memref_slice %arg2[%dma_start3A_55, %dma_start3A_56] : memref<10240x128xbf16, #tpu.memory_space<hbm>> -> memref<10240x128xbf16, #tpu.memory_space<hbm>>
    tpu.enqueue_indirect_dma source(%dma_start3A_57 : memref<10240x128xbf16, #tpu.memory_space<hbm>>) target(%dma_start3A_51 : memref<128x128xbf16, #tpu.memory_space<vmem>>) offsets(%dma_start3A_54 : memref<128xi32, #tpu.memory_space<vmem>>) semaphore(%arg11 : memref<!tpu.dma_semaphore, #tpu.memory_space<semaphore_mem>>)
    %while3A = arith.constant 0 : i32
    %while3A_58 = arith.constant 0 : i32
    %while3A_59 = arith.subi %select_n3A, %while3A_58 : i32
    %while3A_60 = arith.addi %while3A_58, %while3A_59 : i32
    %while3A_61 = arith.constant 1 : i32
    %while3A_62 = arith.divsi %while3A_59, %while3A_61 : i32
    %while3A_63 = arith.muli %while3A_62, %while3A_61 : i32
    %while3A_64 = arith.addi %while3A_58, %while3A_63 : i32
    %while3A_65 = arith.constant 1 : i32
    scf.for %while3A_152 = %while3A_58 to %while3A_64 step %while3A_65  : i32 {
      %add3A_153 = arith.constant 1 : i32
      %add3A_154 = arith.addi %while3A_152, %add3A_153 : i32
      %lt3A = arith.cmpi slt, %add3A_154, %select_n3A : i32
      %convert_element_type3A = arith.extui %lt3A : i1 to i32
      %cond3A = arith.constant 0 : i32
      %cond3A_155 = arith.cmpi ne, %convert_element_type3A, %cond3A : i32
      scf.if %cond3A_155 {
        %add3A_402 = arith.constant 1 : i32
        %add3A_403 = arith.addi %while3A_152, %add3A_402 : i32
        %rem3A_404 = arith.constant 3 : i32
        %rem3A_405 = arith.remsi %add3A_403, %rem3A_404 : i32
        %mul3A_406 = arith.constant 128 : i32
        %mul3A_407 = arith.muli %rem3A_405, %mul3A_406 : i32
        %dma_wait3A_408 = arith.constant 0 : i32
        %dma_wait3A_409 = tpu.memref_slice %arg9[%mul3A_407, %dma_wait3A_408] : memref<384x128xbf16, #tpu.memory_space<vmem>> -> memref<128x128xbf16, #tpu.memory_space<vmem>>
        %dma_wait3A_410 = arith.constant 0 : i32
        %dma_wait3A_411 = tpu.memref_slice %arg7[%add3A_403, %dma_wait3A_410] : memref<112x128xi32, #tpu.memory_space<vmem>> -> memref<1x128xi32, #tpu.memory_space<vmem>>
        %dma_wait3A_412 = tpu.memref_squeeze %dma_wait3A_411 : memref<1x128xi32, #tpu.memory_space<vmem>> -> memref<128xi32, #tpu.memory_space<vmem>>
        %dma_wait3A_413 = arith.constant 0 : i32
        %dma_wait3A_414 = arith.constant 0 : i32
        %dma_wait3A_415 = tpu.memref_slice %arg2[%dma_wait3A_413, %dma_wait3A_414] : memref<10240x128xbf16, #tpu.memory_space<hbm>> -> memref<10240x128xbf16, #tpu.memory_space<hbm>>
        tpu.wait_indirect_dma semaphore(%arg11 : memref<!tpu.dma_semaphore, #tpu.memory_space<semaphore_mem>>) src(%dma_wait3A_415 : memref<10240x128xbf16, #tpu.memory_space<hbm>>) dst(%dma_wait3A_409 : memref<128x128xbf16, #tpu.memory_space<vmem>>)
        %add3A_416 = arith.constant 1 : i32
        %add3A_417 = arith.addi %while3A_152, %add3A_416 : i32
        %rem3A_418 = arith.constant 3 : i32
        %rem3A_419 = arith.remsi %add3A_417, %rem3A_418 : i32
        %mul3A_420 = arith.constant 128 : i32
        %mul3A_421 = arith.muli %rem3A_419, %mul3A_420 : i32
        %dma_start3A_422 = arith.constant 0 : i32
        %dma_start3A_423 = tpu.memref_slice %arg9[%mul3A_421, %dma_start3A_422] : memref<384x128xbf16, #tpu.memory_space<vmem>> -> memref<128x128xbf16, #tpu.memory_space<vmem>>
        %dma_start3A_424 = arith.constant 0 : i32
        %dma_start3A_425 = tpu.memref_slice %arg8[%add3A_417, %dma_start3A_424] : memref<112x128xi32, #tpu.memory_space<vmem>> -> memref<1x128xi32, #tpu.memory_space<vmem>>
        %dma_start3A_426 = tpu.memref_squeeze %dma_start3A_425 : memref<1x128xi32, #tpu.memory_space<vmem>> -> memref<128xi32, #tpu.memory_space<vmem>>
        %dma_start3A_427 = arith.constant 0 : i32
        %dma_start3A_428 = arith.constant 0 : i32
        %dma_start3A_429 = tpu.memref_slice %arg3[%dma_start3A_427, %dma_start3A_428] : memref<10240x128xbf16, #tpu.memory_space<hbm>> -> memref<10240x128xbf16, #tpu.memory_space<hbm>>
        tpu.enqueue_indirect_dma source(%dma_start3A_429 : memref<10240x128xbf16, #tpu.memory_space<hbm>>) target(%dma_start3A_423 : memref<128x128xbf16, #tpu.memory_space<vmem>>) offsets(%dma_start3A_426 : memref<128xi32, #tpu.memory_space<vmem>>) semaphore(%arg12 : memref<!tpu.dma_semaphore, #tpu.memory_space<semaphore_mem>>) {add = true}
      } else {
      }
      %add3A_156 = arith.constant 2 : i32
      %add3A_157 = arith.addi %while3A_152, %add3A_156 : i32
      %lt3A_158 = arith.cmpi slt, %add3A_157, %select_n3A : i32
      %convert_element_type3A_159 = arith.extui %lt3A_158 : i1 to i32
      %cond3A_160 = arith.constant 0 : i32
      %cond3A_161 = arith.cmpi ne, %convert_element_type3A_159, %cond3A_160 : i32
      scf.if %cond3A_161 {
        %add3A_402 = arith.constant 2 : i32
        %add3A_403 = arith.addi %while3A_152, %add3A_402 : i32
        %rem3A_404 = arith.constant 3 : i32
        %rem3A_405 = arith.remsi %add3A_403, %rem3A_404 : i32
        %mul3A_406 = arith.constant 128 : i32
        %mul3A_407 = arith.muli %rem3A_405, %mul3A_406 : i32
        %dma_start3A_408 = arith.constant 0 : i32
        %dma_start3A_409 = tpu.memref_slice %arg9[%mul3A_407, %dma_start3A_408] : memref<384x128xbf16, #tpu.memory_space<vmem>> -> memref<128x128xbf16, #tpu.memory_space<vmem>>
        %dma_start3A_410 = arith.constant 0 : i32
        %dma_start3A_411 = tpu.memref_slice %arg7[%add3A_403, %dma_start3A_410] : memref<112x128xi32, #tpu.memory_space<vmem>> -> memref<1x128xi32, #tpu.memory_space<vmem>>
        %dma_start3A_412 = tpu.memref_squeeze %dma_start3A_411 : memref<1x128xi32, #tpu.memory_space<vmem>> -> memref<128xi32, #tpu.memory_space<vmem>>
        %dma_start3A_413 = arith.constant 0 : i32
        %dma_start3A_414 = arith.constant 0 : i32
        %dma_start3A_415 = tpu.memref_slice %arg2[%dma_start3A_413, %dma_start3A_414] : memref<10240x128xbf16, #tpu.memory_space<hbm>> -> memref<10240x128xbf16, #tpu.memory_space<hbm>>
        tpu.enqueue_indirect_dma source(%dma_start3A_415 : memref<10240x128xbf16, #tpu.memory_space<hbm>>) target(%dma_start3A_409 : memref<128x128xbf16, #tpu.memory_space<vmem>>) offsets(%dma_start3A_412 : memref<128xi32, #tpu.memory_space<vmem>>) semaphore(%arg11 : memref<!tpu.dma_semaphore, #tpu.memory_space<semaphore_mem>>)
      } else {
      }
      %rem3A_162 = arith.constant 3 : i32
      %rem3A_163 = arith.remsi %while3A_152, %rem3A_162 : i32
      %mul3A_164 = arith.constant 128 : i32
      %mul3A_165 = arith.muli %rem3A_163, %mul3A_164 : i32
      %dma_wait3A_166 = arith.constant 0 : i32
      %dma_wait3A_167 = tpu.memref_slice %arg9[%mul3A_165, %dma_wait3A_166] : memref<384x128xbf16, #tpu.memory_space<vmem>> -> memref<128x128xbf16, #tpu.memory_space<vmem>>
      %dma_wait3A_168 = arith.constant 0 : i32
      %dma_wait3A_169 = tpu.memref_slice %arg8[%while3A_152, %dma_wait3A_168] : memref<112x128xi32, #tpu.memory_space<vmem>> -> memref<1x128xi32, #tpu.memory_space<vmem>>
      %dma_wait3A_170 = tpu.memref_squeeze %dma_wait3A_169 : memref<1x128xi32, #tpu.memory_space<vmem>> -> memref<128xi32, #tpu.memory_space<vmem>>
      %dma_wait3A_171 = arith.constant 0 : i32
      %dma_wait3A_172 = arith.constant 0 : i32
      %dma_wait3A_173 = tpu.memref_slice %arg3[%dma_wait3A_171, %dma_wait3A_172] : memref<10240x128xbf16, #tpu.memory_space<hbm>> -> memref<10240x128xbf16, #tpu.memory_space<hbm>>
      tpu.wait_indirect_dma semaphore(%arg12 : memref<!tpu.dma_semaphore, #tpu.memory_space<semaphore_mem>>) src(%dma_wait3A_173 : memref<10240x128xbf16, #tpu.memory_space<hbm>>) dst(%dma_wait3A_167 : memref<128x128xbf16, #tpu.memory_space<vmem>>)
      %jit3A_174 = arith.constant 2 : i32
      %div3A_175 = arith.divsi %while3A_152, %jit3A_174 : i32
      %sign3A_176 = arith.constant 0 : i32
      %sign3A_177 = arith.cmpi sgt, %while3A_152, %sign3A_176 : i32
      %sign3A_178 = arith.extui %sign3A_177 : i1 to i32
      %sign3A_179 = arith.constant 0 : i32
      %sign3A_180 = arith.cmpi slt, %while3A_152, %sign3A_179 : i32
      %sign3A_181 = arith.extui %sign3A_180 : i1 to i32
      %sign3A_182 = arith.subi %sign3A_178, %sign3A_181 : i32
      %sign3A_183 = arith.constant 0 : i32
      %sign3A_184 = arith.cmpi sgt, %jit3A_174, %sign3A_183 : i32
      %sign3A_185 = arith.extui %sign3A_184 : i1 to i32
      %sign3A_186 = arith.constant 0 : i32
      %sign3A_187 = arith.cmpi slt, %jit3A_174, %sign3A_186 : i32
      %sign3A_188 = arith.extui %sign3A_187 : i1 to i32
      %sign3A_189 = arith.subi %sign3A_185, %sign3A_188 : i32
      %ne3A_190 = arith.cmpi ne, %sign3A_182, %sign3A_189 : i32
      %rem3A_191 = arith.remsi %while3A_152, %jit3A_174 : i32
      %ne3A_192 = arith.constant 0 : i32
      %ne3A_193 = arith.cmpi ne, %rem3A_191, %ne3A_192 : i32
      %and3A_194 = arith.andi %ne3A_190, %ne3A_193 : i1
      %sub3A_195 = arith.constant 1 : i32
      %sub3A_196 = arith.subi %div3A_175, %sub3A_195 : i32
      %select_n3A_197 = arith.select %and3A_194, %sub3A_196, %div3A_175 : i32
      %rem3A_198 = arith.constant 2 : i32
      %rem3A_199 = arith.remsi %while3A_152, %rem3A_198 : i32
      %eq3A_200 = arith.constant 0 : i32
      %eq3A_201 = arith.cmpi eq, %rem3A_199, %eq3A_200 : i32
      %ge3A = arith.constant 2 : i32
      %ge3A_202 = arith.cmpi sge, %select_n3A_197, %ge3A : i32
      %and3A_203 = arith.andi %eq3A_201, %ge3A_202 : i1
      %convert_element_type3A_204 = arith.extui %and3A_203 : i1 to i32
      %cond3A_205 = arith.constant 0 : i32
      %cond3A_206 = arith.cmpi ne, %convert_element_type3A_204, %cond3A_205 : i32
      scf.if %cond3A_206 {
        %sub3A_402 = arith.constant 2 : i32
        %sub3A_403 = arith.subi %select_n3A_197, %sub3A_402 : i32
        %mul3A_404 = arith.constant 2 : i32
        %mul3A_405 = arith.muli %mul3A_404, %sub3A_403 : i32
        %add3A_406 = arith.addi %add3A, %mul3A_405 : i32
        %mul3A_407 = arith.constant 4 : i32
        %mul3A_408 = arith.muli %add3A_406, %mul3A_407 : i32
        %rem3A_409 = arith.constant 2 : i32
        %rem3A_410 = arith.remsi %sub3A_403, %rem3A_409 : i32
        %mul3A_411 = arith.constant 2 : i32
        %mul3A_412 = arith.muli %rem3A_410, %mul3A_411 : i32
        %mul3A_413 = arith.constant 4 : i32
        %mul3A_414 = arith.muli %mul3A_412, %mul3A_413 : i32
        %dma_wait3A_415 = arith.constant 0 : i32
        %dma_wait3A_416 = tpu.memref_slice %arg10[%mul3A_414, %dma_wait3A_415] : memref<16x128xbf16, #tpu.memory_space<vmem>> -> memref<8x128xbf16, #tpu.memory_space<vmem>>
        %dma_wait3A_417 = arith.constant 0 : i32
        %dma_wait3A_418 = tpu.memref_slice %arg6[%mul3A_408, %dma_wait3A_417] : memref<10240x128xbf16, #tpu.memory_space<hbm>> -> memref<8x128xbf16, #tpu.memory_space<hbm>>
        %dma_wait3A_419 = arith.constant 0 : i32
        %dma_wait3A_420 = tpu.memref_slice %arg6[%mul3A_408, %dma_wait3A_419] : memref<10240x128xbf16, #tpu.memory_space<hbm>> -> memref<8x128xbf16, #tpu.memory_space<hbm>>
        %dma_wait3A_421 = arith.constant 0 : i32
        %dma_wait3A_422 = tpu.memref_slice %arg10[%mul3A_414, %dma_wait3A_421] : memref<16x128xbf16, #tpu.memory_space<vmem>> -> memref<8x128xbf16, #tpu.memory_space<vmem>>
        tpu.wait_dma2 semaphore(%arg13 : memref<!tpu.dma_semaphore, #tpu.memory_space<semaphore_mem>>) src(%dma_wait3A_422 : memref<8x128xbf16, #tpu.memory_space<vmem>>) dst(%dma_wait3A_420 : memref<8x128xbf16, #tpu.memory_space<hbm>>)
      } else {
      }
      %rem3A_207 = arith.constant 3 : i32
      %rem3A_208 = arith.remsi %while3A_152, %rem3A_207 : i32
      %mul3A_209 = arith.constant 128 : i32
      %mul3A_210 = arith.muli %rem3A_208, %mul3A_209 : i32
      %rem3A_211 = arith.constant 2 : i32
      %rem3A_212 = arith.remsi %select_n3A_197, %rem3A_211 : i32
      %mul3A_213 = arith.constant 2 : i32
      %mul3A_214 = arith.muli %rem3A_212, %mul3A_213 : i32
      %mul3A_215 = arith.constant 4 : i32
      %mul3A_216 = arith.muli %mul3A_214, %mul3A_215 : i32
      %rem3A_217 = arith.constant 2 : i32
      %rem3A_218 = arith.remsi %while3A_152, %rem3A_217 : i32
      %mul3A_219 = arith.constant 4 : i32
      %mul3A_220 = arith.muli %rem3A_218, %mul3A_219 : i32
      %add3A_221 = arith.addi %mul3A_216, %mul3A_220 : i32
      %add3A_222 = arith.constant 0 : i32
      %add3A_223 = arith.addi %mul3A_210, %add3A_222 : i32
      %broadcast_in_dim3A = arith.constant 0.000000e+00 : bf16
      %broadcast_in_dim3A_224 = vector.broadcast %broadcast_in_dim3A : bf16 to vector<32xbf16>
      %broadcast_in_dim3A_225 = arith.constant 0.000000e+00 : bf16
      %broadcast_in_dim3A_226 = vector.broadcast %broadcast_in_dim3A_225 : bf16 to vector<32xbf16>
      %broadcast_in_dim3A_227 = arith.constant 0.000000e+00 : bf16
      %broadcast_in_dim3A_228 = vector.broadcast %broadcast_in_dim3A_227 : bf16 to vector<32xbf16>
      %broadcast_in_dim3A_229 = arith.constant 0.000000e+00 : bf16
      %broadcast_in_dim3A_230 = vector.broadcast %broadcast_in_dim3A_229 : bf16 to vector<32xbf16>
      %scan3A = arith.constant 0 : i32
      %scan3A_231 = arith.constant 32 : i32
      %scan3A_232 = arith.addi %scan3A, %scan3A_231 : i32
      %scan3A_233 = arith.constant 1 : i32
      %scan3A_234:4 = scf.for %scan3A_402 = %scan3A to %scan3A_232 step %scan3A_233 iter_args(%scan3A_403 = %broadcast_in_dim3A_224, %scan3A_404 = %broadcast_in_dim3A_226, %scan3A_405 = %broadcast_in_dim3A_228, %scan3A_406 = %broadcast_in_dim3A_230) -> (vector<32xbf16>, vector<32xbf16>, vector<32xbf16>, vector<32xbf16>)  : i32 {
        %add3A_407 = arith.addi %add3A_223, %scan3A_402 : i32
        %get3A = arith.index_cast %add3A_407 : i32 to index
        %get3A_408 = arith.constant 0 : index
        %get3A_409 = tpu.vector_load %arg9[%get3A, %get3A_408] {strides = array<i32>} : memref<384x128xbf16, #tpu.memory_space<vmem>>, vector<1x32xbf16>,
        %get3A_410 = vector.shape_cast %get3A_409 : vector<1x32xbf16> to vector<32xbf16>
        %max3A = arith.maximumf %scan3A_403, %get3A_410 : vector<32xbf16>
        %add3A_411 = arith.addi %add3A_223, %scan3A_402 : i32
        %get3A_412 = arith.index_cast %add3A_411 : i32 to index
        %get3A_413 = arith.constant 32 : index
        %get3A_414 = tpu.vector_load %arg9[%get3A_412, %get3A_413] {strides = array<i32>} : memref<384x128xbf16, #tpu.memory_space<vmem>>, vector<1x32xbf16>,
        %get3A_415 = vector.shape_cast %get3A_414 : vector<1x32xbf16> to vector<32xbf16>
        %max3A_416 = arith.maximumf %scan3A_404, %get3A_415 : vector<32xbf16>
        %add3A_417 = arith.addi %add3A_223, %scan3A_402 : i32
        %get3A_418 = arith.index_cast %add3A_417 : i32 to index
        %get3A_419 = arith.constant 64 : index
        %get3A_420 = tpu.vector_load %arg9[%get3A_418, %get3A_419] {strides = array<i32>} : memref<384x128xbf16, #tpu.memory_space<vmem>>, vector<1x32xbf16>,
        %get3A_421 = vector.shape_cast %get3A_420 : vector<1x32xbf16> to vector<32xbf16>
        %max3A_422 = arith.maximumf %scan3A_405, %get3A_421 : vector<32xbf16>
        %add3A_423 = arith.addi %add3A_223, %scan3A_402 : i32
        %get3A_424 = arith.index_cast %add3A_423 : i32 to index
        %get3A_425 = arith.constant 96 : index
        %get3A_426 = tpu.vector_load %arg9[%get3A_424, %get3A_425] {strides = array<i32>} : memref<384x128xbf16, #tpu.memory_space<vmem>>, vector<1x32xbf16>,
        %get3A_427 = vector.shape_cast %get3A_426 : vector<1x32xbf16> to vector<32xbf16>
        %max3A_428 = arith.maximumf %scan3A_406, %get3A_427 : vector<32xbf16>
        scf.yield %max3A, %max3A_416, %max3A_422, %max3A_428 : vector<32xbf16>, vector<32xbf16>, vector<32xbf16>, vector<32xbf16>
      }
      %scan3A_235 = arith.constant 32 : i32
      %add3A_236 = arith.constant 0 : i32
      %add3A_237 = arith.addi %add3A_221, %add3A_236 : i32
      %swap3A = arith.index_cast %add3A_237 : i32 to index
      %swap3A_238 = arith.constant 0 : index
      %swap3A_239 = tpu.vector_load %arg10[%swap3A, %swap3A_238] {strides = array<i32>} : memref<16x128xbf16, #tpu.memory_space<vmem>>, vector<1x32xbf16>,
      %swap3A_240 = vector.shape_cast %swap3A_239 : vector<1x32xbf16> to vector<32xbf16>
      %swap3A_241 = vector.shape_cast %scan3A_234#0 : vector<32xbf16> to vector<1x32xbf16>
      tpu.vector_store %arg10[%swap3A, %swap3A_238], %swap3A_241 {strides = array<i32>} : memref<16x128xbf16, #tpu.memory_space<vmem>>, vector<1x32xbf16>,
      %add3A_242 = arith.constant 0 : i32
      %add3A_243 = arith.addi %add3A_221, %add3A_242 : i32
      %swap3A_244 = arith.index_cast %add3A_243 : i32 to index
      %swap3A_245 = arith.constant 32 : index
      %swap3A_246 = tpu.vector_load %arg10[%swap3A_244, %swap3A_245] {strides = array<i32>} : memref<16x128xbf16, #tpu.memory_space<vmem>>, vector<1x32xbf16>,
      %swap3A_247 = vector.shape_cast %swap3A_246 : vector<1x32xbf16> to vector<32xbf16>
      %swap3A_248 = vector.shape_cast %scan3A_234#1 : vector<32xbf16> to vector<1x32xbf16>
      tpu.vector_store %arg10[%swap3A_244, %swap3A_245], %swap3A_248 {strides = array<i32>} : memref<16x128xbf16, #tpu.memory_space<vmem>>, vector<1x32xbf16>,
      %add3A_249 = arith.constant 0 : i32
      %add3A_250 = arith.addi %add3A_221, %add3A_249 : i32
      %swap3A_251 = arith.index_cast %add3A_250 : i32 to index
      %swap3A_252 = arith.constant 64 : index
      %swap3A_253 = tpu.vector_load %arg10[%swap3A_251, %swap3A_252] {strides = array<i32>} : memref<16x128xbf16, #tpu.memory_space<vmem>>, vector<1x32xbf16>,
      %swap3A_254 = vector.shape_cast %swap3A_253 : vector<1x32xbf16> to vector<32xbf16>
      %swap3A_255 = vector.shape_cast %scan3A_234#2 : vector<32xbf16> to vector<1x32xbf16>
      tpu.vector_store %arg10[%swap3A_251, %swap3A_252], %swap3A_255 {strides = array<i32>} : memref<16x128xbf16, #tpu.memory_space<vmem>>, vector<1x32xbf16>,
      %add3A_256 = arith.constant 0 : i32
      %add3A_257 = arith.addi %add3A_221, %add3A_256 : i32
      %swap3A_258 = arith.index_cast %add3A_257 : i32 to index
      %swap3A_259 = arith.constant 96 : index
      %swap3A_260 = tpu.vector_load %arg10[%swap3A_258, %swap3A_259] {strides = array<i32>} : memref<16x128xbf16, #tpu.memory_space<vmem>>, vector<1x32xbf16>,
      %swap3A_261 = vector.shape_cast %swap3A_260 : vector<1x32xbf16> to vector<32xbf16>
      %swap3A_262 = vector.shape_cast %scan3A_234#3 : vector<32xbf16> to vector<1x32xbf16>
      tpu.vector_store %arg10[%swap3A_258, %swap3A_259], %swap3A_262 {strides = array<i32>} : memref<16x128xbf16, #tpu.memory_space<vmem>>, vector<1x32xbf16>,
      %add3A_263 = arith.constant 32 : i32
      %add3A_264 = arith.addi %mul3A_210, %add3A_263 : i32
      %broadcast_in_dim3A_265 = arith.constant 0.000000e+00 : bf16
      %broadcast_in_dim3A_266 = vector.broadcast %broadcast_in_dim3A_265 : bf16 to vector<32xbf16>
      %broadcast_in_dim3A_267 = arith.constant 0.000000e+00 : bf16
      %broadcast_in_dim3A_268 = vector.broadcast %broadcast_in_dim3A_267 : bf16 to vector<32xbf16>
      %broadcast_in_dim3A_269 = arith.constant 0.000000e+00 : bf16
      %broadcast_in_dim3A_270 = vector.broadcast %broadcast_in_dim3A_269 : bf16 to vector<32xbf16>
      %broadcast_in_dim3A_271 = arith.constant 0.000000e+00 : bf16
      %broadcast_in_dim3A_272 = vector.broadcast %broadcast_in_dim3A_271 : bf16 to vector<32xbf16>
      %scan3A_273 = arith.constant 0 : i32
      %scan3A_274 = arith.constant 32 : i32
      %scan3A_275 = arith.addi %scan3A_273, %scan3A_274 : i32
      %scan3A_276 = arith.constant 1 : i32
      %scan3A_277:4 = scf.for %scan3A_402 = %scan3A_273 to %scan3A_275 step %scan3A_276 iter_args(%scan3A_403 = %broadcast_in_dim3A_266, %scan3A_404 = %broadcast_in_dim3A_268, %scan3A_405 = %broadcast_in_dim3A_270, %scan3A_406 = %broadcast_in_dim3A_272) -> (vector<32xbf16>, vector<32xbf16>, vector<32xbf16>, vector<32xbf16>)  : i32 {
        %add3A_407 = arith.addi %add3A_264, %scan3A_402 : i32
        %get3A = arith.index_cast %add3A_407 : i32 to index
        %get3A_408 = arith.constant 0 : index
        %get3A_409 = tpu.vector_load %arg9[%get3A, %get3A_408] {strides = array<i32>} : memref<384x128xbf16, #tpu.memory_space<vmem>>, vector<1x32xbf16>,
        %get3A_410 = vector.shape_cast %get3A_409 : vector<1x32xbf16> to vector<32xbf16>
        %max3A = arith.maximumf %scan3A_403, %get3A_410 : vector<32xbf16>
        %add3A_411 = arith.addi %add3A_264, %scan3A_402 : i32
        %get3A_412 = arith.index_cast %add3A_411 : i32 to index
        %get3A_413 = arith.constant 32 : index
        %get3A_414 = tpu.vector_load %arg9[%get3A_412, %get3A_413] {strides = array<i32>} : memref<384x128xbf16, #tpu.memory_space<vmem>>, vector<1x32xbf16>,
        %get3A_415 = vector.shape_cast %get3A_414 : vector<1x32xbf16> to vector<32xbf16>
        %max3A_416 = arith.maximumf %scan3A_404, %get3A_415 : vector<32xbf16>
        %add3A_417 = arith.addi %add3A_264, %scan3A_402 : i32
        %get3A_418 = arith.index_cast %add3A_417 : i32 to index
        %get3A_419 = arith.constant 64 : index
        %get3A_420 = tpu.vector_load %arg9[%get3A_418, %get3A_419] {strides = array<i32>} : memref<384x128xbf16, #tpu.memory_space<vmem>>, vector<1x32xbf16>,
        %get3A_421 = vector.shape_cast %get3A_420 : vector<1x32xbf16> to vector<32xbf16>
        %max3A_422 = arith.maximumf %scan3A_405, %get3A_421 : vector<32xbf16>
        %add3A_423 = arith.addi %add3A_264, %scan3A_402 : i32
        %get3A_424 = arith.index_cast %add3A_423 : i32 to index
        %get3A_425 = arith.constant 96 : index
        %get3A_426 = tpu.vector_load %arg9[%get3A_424, %get3A_425] {strides = array<i32>} : memref<384x128xbf16, #tpu.memory_space<vmem>>, vector<1x32xbf16>,
        %get3A_427 = vector.shape_cast %get3A_426 : vector<1x32xbf16> to vector<32xbf16>
        %max3A_428 = arith.maximumf %scan3A_406, %get3A_427 : vector<32xbf16>
        scf.yield %max3A, %max3A_416, %max3A_422, %max3A_428 : vector<32xbf16>, vector<32xbf16>, vector<32xbf16>, vector<32xbf16>
      }
      %scan3A_278 = arith.constant 32 : i32
      %add3A_279 = arith.constant 1 : i32
      %add3A_280 = arith.addi %add3A_221, %add3A_279 : i32
      %swap3A_281 = arith.index_cast %add3A_280 : i32 to index
      %swap3A_282 = arith.constant 0 : index
      %swap3A_283 = tpu.vector_load %arg10[%swap3A_281, %swap3A_282] {strides = array<i32>} : memref<16x128xbf16, #tpu.memory_space<vmem>>, vector<1x32xbf16>,
      %swap3A_284 = vector.shape_cast %swap3A_283 : vector<1x32xbf16> to vector<32xbf16>
      %swap3A_285 = vector.shape_cast %scan3A_277#0 : vector<32xbf16> to vector<1x32xbf16>
      tpu.vector_store %arg10[%swap3A_281, %swap3A_282], %swap3A_285 {strides = array<i32>} : memref<16x128xbf16, #tpu.memory_space<vmem>>, vector<1x32xbf16>,
      %add3A_286 = arith.constant 1 : i32
      %add3A_287 = arith.addi %add3A_221, %add3A_286 : i32
      %swap3A_288 = arith.index_cast %add3A_287 : i32 to index
      %swap3A_289 = arith.constant 32 : index
      %swap3A_290 = tpu.vector_load %arg10[%swap3A_288, %swap3A_289] {strides = array<i32>} : memref<16x128xbf16, #tpu.memory_space<vmem>>, vector<1x32xbf16>,
      %swap3A_291 = vector.shape_cast %swap3A_290 : vector<1x32xbf16> to vector<32xbf16>
      %swap3A_292 = vector.shape_cast %scan3A_277#1 : vector<32xbf16> to vector<1x32xbf16>
      tpu.vector_store %arg10[%swap3A_288, %swap3A_289], %swap3A_292 {strides = array<i32>} : memref<16x128xbf16, #tpu.memory_space<vmem>>, vector<1x32xbf16>,
      %add3A_293 = arith.constant 1 : i32
      %add3A_294 = arith.addi %add3A_221, %add3A_293 : i32
      %swap3A_295 = arith.index_cast %add3A_294 : i32 to index
      %swap3A_296 = arith.constant 64 : index
      %swap3A_297 = tpu.vector_load %arg10[%swap3A_295, %swap3A_296] {strides = array<i32>} : memref<16x128xbf16, #tpu.memory_space<vmem>>, vector<1x32xbf16>,
      %swap3A_298 = vector.shape_cast %swap3A_297 : vector<1x32xbf16> to vector<32xbf16>
      %swap3A_299 = vector.shape_cast %scan3A_277#2 : vector<32xbf16> to vector<1x32xbf16>
      tpu.vector_store %arg10[%swap3A_295, %swap3A_296], %swap3A_299 {strides = array<i32>} : memref<16x128xbf16, #tpu.memory_space<vmem>>, vector<1x32xbf16>,
      %add3A_300 = arith.constant 1 : i32
      %add3A_301 = arith.addi %add3A_221, %add3A_300 : i32
      %swap3A_302 = arith.index_cast %add3A_301 : i32 to index
      %swap3A_303 = arith.constant 96 : index
      %swap3A_304 = tpu.vector_load %arg10[%swap3A_302, %swap3A_303] {strides = array<i32>} : memref<16x128xbf16, #tpu.memory_space<vmem>>, vector<1x32xbf16>,
      %swap3A_305 = vector.shape_cast %swap3A_304 : vector<1x32xbf16> to vector<32xbf16>
      %swap3A_306 = vector.shape_cast %scan3A_277#3 : vector<32xbf16> to vector<1x32xbf16>
      tpu.vector_store %arg10[%swap3A_302, %swap3A_303], %swap3A_306 {strides = array<i32>} : memref<16x128xbf16, #tpu.memory_space<vmem>>, vector<1x32xbf16>,
      %add3A_307 = arith.constant 64 : i32
      %add3A_308 = arith.addi %mul3A_210, %add3A_307 : i32
      %broadcast_in_dim3A_309 = arith.constant 0.000000e+00 : bf16
      %broadcast_in_dim3A_310 = vector.broadcast %broadcast_in_dim3A_309 : bf16 to vector<32xbf16>
      %broadcast_in_dim3A_311 = arith.constant 0.000000e+00 : bf16
      %broadcast_in_dim3A_312 = vector.broadcast %broadcast_in_dim3A_311 : bf16 to vector<32xbf16>
      %broadcast_in_dim3A_313 = arith.constant 0.000000e+00 : bf16
      %broadcast_in_dim3A_314 = vector.broadcast %broadcast_in_dim3A_313 : bf16 to vector<32xbf16>
      %broadcast_in_dim3A_315 = arith.constant 0.000000e+00 : bf16
      %broadcast_in_dim3A_316 = vector.broadcast %broadcast_in_dim3A_315 : bf16 to vector<32xbf16>
      %scan3A_317 = arith.constant 0 : i32
      %scan3A_318 = arith.constant 32 : i32
      %scan3A_319 = arith.addi %scan3A_317, %scan3A_318 : i32
      %scan3A_320 = arith.constant 1 : i32
      %scan3A_321:4 = scf.for %scan3A_402 = %scan3A_317 to %scan3A_319 step %scan3A_320 iter_args(%scan3A_403 = %broadcast_in_dim3A_310, %scan3A_404 = %broadcast_in_dim3A_312, %scan3A_405 = %broadcast_in_dim3A_314, %scan3A_406 = %broadcast_in_dim3A_316) -> (vector<32xbf16>, vector<32xbf16>, vector<32xbf16>, vector<32xbf16>)  : i32 {
        %add3A_407 = arith.addi %add3A_308, %scan3A_402 : i32
        %get3A = arith.index_cast %add3A_407 : i32 to index
        %get3A_408 = arith.constant 0 : index
        %get3A_409 = tpu.vector_load %arg9[%get3A, %get3A_408] {strides = array<i32>} : memref<384x128xbf16, #tpu.memory_space<vmem>>, vector<1x32xbf16>,
        %get3A_410 = vector.shape_cast %get3A_409 : vector<1x32xbf16> to vector<32xbf16>
        %max3A = arith.maximumf %scan3A_403, %get3A_410 : vector<32xbf16>
        %add3A_411 = arith.addi %add3A_308, %scan3A_402 : i32
        %get3A_412 = arith.index_cast %add3A_411 : i32 to index
        %get3A_413 = arith.constant 32 : index
        %get3A_414 = tpu.vector_load %arg9[%get3A_412, %get3A_413] {strides = array<i32>} : memref<384x128xbf16, #tpu.memory_space<vmem>>, vector<1x32xbf16>,
        %get3A_415 = vector.shape_cast %get3A_414 : vector<1x32xbf16> to vector<32xbf16>
        %max3A_416 = arith.maximumf %scan3A_404, %get3A_415 : vector<32xbf16>
        %add3A_417 = arith.addi %add3A_308, %scan3A_402 : i32
        %get3A_418 = arith.index_cast %add3A_417 : i32 to index
        %get3A_419 = arith.constant 64 : index
        %get3A_420 = tpu.vector_load %arg9[%get3A_418, %get3A_419] {strides = array<i32>} : memref<384x128xbf16, #tpu.memory_space<vmem>>, vector<1x32xbf16>,
        %get3A_421 = vector.shape_cast %get3A_420 : vector<1x32xbf16> to vector<32xbf16>
        %max3A_422 = arith.maximumf %scan3A_405, %get3A_421 : vector<32xbf16>
        %add3A_423 = arith.addi %add3A_308, %scan3A_402 : i32
        %get3A_424 = arith.index_cast %add3A_423 : i32 to index
        %get3A_425 = arith.constant 96 : index
        %get3A_426 = tpu.vector_load %arg9[%get3A_424, %get3A_425] {strides = array<i32>} : memref<384x128xbf16, #tpu.memory_space<vmem>>, vector<1x32xbf16>,
        %get3A_427 = vector.shape_cast %get3A_426 : vector<1x32xbf16> to vector<32xbf16>
        %max3A_428 = arith.maximumf %scan3A_406, %get3A_427 : vector<32xbf16>
        scf.yield %max3A, %max3A_416, %max3A_422, %max3A_428 : vector<32xbf16>, vector<32xbf16>, vector<32xbf16>, vector<32xbf16>
      }
      %scan3A_322 = arith.constant 32 : i32
      %add3A_323 = arith.constant 2 : i32
      %add3A_324 = arith.addi %add3A_221, %add3A_323 : i32
      %swap3A_325 = arith.index_cast %add3A_324 : i32 to index
      %swap3A_326 = arith.constant 0 : index
      %swap3A_327 = tpu.vector_load %arg10[%swap3A_325, %swap3A_326] {strides = array<i32>} : memref<16x128xbf16, #tpu.memory_space<vmem>>, vector<1x32xbf16>,
      %swap3A_328 = vector.shape_cast %swap3A_327 : vector<1x32xbf16> to vector<32xbf16>
      %swap3A_329 = vector.shape_cast %scan3A_321#0 : vector<32xbf16> to vector<1x32xbf16>
      tpu.vector_store %arg10[%swap3A_325, %swap3A_326], %swap3A_329 {strides = array<i32>} : memref<16x128xbf16, #tpu.memory_space<vmem>>, vector<1x32xbf16>,
      %add3A_330 = arith.constant 2 : i32
      %add3A_331 = arith.addi %add3A_221, %add3A_330 : i32
      %swap3A_332 = arith.index_cast %add3A_331 : i32 to index
      %swap3A_333 = arith.constant 32 : index
      %swap3A_334 = tpu.vector_load %arg10[%swap3A_332, %swap3A_333] {strides = array<i32>} : memref<16x128xbf16, #tpu.memory_space<vmem>>, vector<1x32xbf16>,
      %swap3A_335 = vector.shape_cast %swap3A_334 : vector<1x32xbf16> to vector<32xbf16>
      %swap3A_336 = vector.shape_cast %scan3A_321#1 : vector<32xbf16> to vector<1x32xbf16>
      tpu.vector_store %arg10[%swap3A_332, %swap3A_333], %swap3A_336 {strides = array<i32>} : memref<16x128xbf16, #tpu.memory_space<vmem>>, vector<1x32xbf16>,
      %add3A_337 = arith.constant 2 : i32
      %add3A_338 = arith.addi %add3A_221, %add3A_337 : i32
      %swap3A_339 = arith.index_cast %add3A_338 : i32 to index
      %swap3A_340 = arith.constant 64 : index
      %swap3A_341 = tpu.vector_load %arg10[%swap3A_339, %swap3A_340] {strides = array<i32>} : memref<16x128xbf16, #tpu.memory_space<vmem>>, vector<1x32xbf16>,
      %swap3A_342 = vector.shape_cast %swap3A_341 : vector<1x32xbf16> to vector<32xbf16>
      %swap3A_343 = vector.shape_cast %scan3A_321#2 : vector<32xbf16> to vector<1x32xbf16>
      tpu.vector_store %arg10[%swap3A_339, %swap3A_340], %swap3A_343 {strides = array<i32>} : memref<16x128xbf16, #tpu.memory_space<vmem>>, vector<1x32xbf16>,
      %add3A_344 = arith.constant 2 : i32
      %add3A_345 = arith.addi %add3A_221, %add3A_344 : i32
      %swap3A_346 = arith.index_cast %add3A_345 : i32 to index
      %swap3A_347 = arith.constant 96 : index
      %swap3A_348 = tpu.vector_load %arg10[%swap3A_346, %swap3A_347] {strides = array<i32>} : memref<16x128xbf16, #tpu.memory_space<vmem>>, vector<1x32xbf16>,
      %swap3A_349 = vector.shape_cast %swap3A_348 : vector<1x32xbf16> to vector<32xbf16>
      %swap3A_350 = vector.shape_cast %scan3A_321#3 : vector<32xbf16> to vector<1x32xbf16>
      tpu.vector_store %arg10[%swap3A_346, %swap3A_347], %swap3A_350 {strides = array<i32>} : memref<16x128xbf16, #tpu.memory_space<vmem>>, vector<1x32xbf16>,
      %add3A_351 = arith.constant 96 : i32
      %add3A_352 = arith.addi %mul3A_210, %add3A_351 : i32
      %broadcast_in_dim3A_353 = arith.constant 0.000000e+00 : bf16
      %broadcast_in_dim3A_354 = vector.broadcast %broadcast_in_dim3A_353 : bf16 to vector<32xbf16>
      %broadcast_in_dim3A_355 = arith.constant 0.000000e+00 : bf16
      %broadcast_in_dim3A_356 = vector.broadcast %broadcast_in_dim3A_355 : bf16 to vector<32xbf16>
      %broadcast_in_dim3A_357 = arith.constant 0.000000e+00 : bf16
      %broadcast_in_dim3A_358 = vector.broadcast %broadcast_in_dim3A_357 : bf16 to vector<32xbf16>
      %broadcast_in_dim3A_359 = arith.constant 0.000000e+00 : bf16
      %broadcast_in_dim3A_360 = vector.broadcast %broadcast_in_dim3A_359 : bf16 to vector<32xbf16>
      %scan3A_361 = arith.constant 0 : i32
      %scan3A_362 = arith.constant 32 : i32
      %scan3A_363 = arith.addi %scan3A_361, %scan3A_362 : i32
      %scan3A_364 = arith.constant 1 : i32
      %scan3A_365:4 = scf.for %scan3A_402 = %scan3A_361 to %scan3A_363 step %scan3A_364 iter_args(%scan3A_403 = %broadcast_in_dim3A_354, %scan3A_404 = %broadcast_in_dim3A_356, %scan3A_405 = %broadcast_in_dim3A_358, %scan3A_406 = %broadcast_in_dim3A_360) -> (vector<32xbf16>, vector<32xbf16>, vector<32xbf16>, vector<32xbf16>)  : i32 {
        %add3A_407 = arith.addi %add3A_352, %scan3A_402 : i32
        %get3A = arith.index_cast %add3A_407 : i32 to index
        %get3A_408 = arith.constant 0 : index
        %get3A_409 = tpu.vector_load %arg9[%get3A, %get3A_408] {strides = array<i32>} : memref<384x128xbf16, #tpu.memory_space<vmem>>, vector<1x32xbf16>,
        %get3A_410 = vector.shape_cast %get3A_409 : vector<1x32xbf16> to vector<32xbf16>
        %max3A = arith.maximumf %scan3A_403, %get3A_410 : vector<32xbf16>
        %add3A_411 = arith.addi %add3A_352, %scan3A_402 : i32
        %get3A_412 = arith.index_cast %add3A_411 : i32 to index
        %get3A_413 = arith.constant 32 : index
        %get3A_414 = tpu.vector_load %arg9[%get3A_412, %get3A_413] {strides = array<i32>} : memref<384x128xbf16, #tpu.memory_space<vmem>>, vector<1x32xbf16>,
        %get3A_415 = vector.shape_cast %get3A_414 : vector<1x32xbf16> to vector<32xbf16>
        %max3A_416 = arith.maximumf %scan3A_404, %get3A_415 : vector<32xbf16>
        %add3A_417 = arith.addi %add3A_352, %scan3A_402 : i32
        %get3A_418 = arith.index_cast %add3A_417 : i32 to index
        %get3A_419 = arith.constant 64 : index
        %get3A_420 = tpu.vector_load %arg9[%get3A_418, %get3A_419] {strides = array<i32>} : memref<384x128xbf16, #tpu.memory_space<vmem>>, vector<1x32xbf16>,
        %get3A_421 = vector.shape_cast %get3A_420 : vector<1x32xbf16> to vector<32xbf16>
        %max3A_422 = arith.maximumf %scan3A_405, %get3A_421 : vector<32xbf16>
        %add3A_423 = arith.addi %add3A_352, %scan3A_402 : i32
        %get3A_424 = arith.index_cast %add3A_423 : i32 to index
        %get3A_425 = arith.constant 96 : index
        %get3A_426 = tpu.vector_load %arg9[%get3A_424, %get3A_425] {strides = array<i32>} : memref<384x128xbf16, #tpu.memory_space<vmem>>, vector<1x32xbf16>,
        %get3A_427 = vector.shape_cast %get3A_426 : vector<1x32xbf16> to vector<32xbf16>
        %max3A_428 = arith.maximumf %scan3A_406, %get3A_427 : vector<32xbf16>
        scf.yield %max3A, %max3A_416, %max3A_422, %max3A_428 : vector<32xbf16>, vector<32xbf16>, vector<32xbf16>, vector<32xbf16>
      }
      %scan3A_366 = arith.constant 32 : i32
      %add3A_367 = arith.constant 3 : i32
      %add3A_368 = arith.addi %add3A_221, %add3A_367 : i32
      %swap3A_369 = arith.index_cast %add3A_368 : i32 to index
      %swap3A_370 = arith.constant 0 : index
      %swap3A_371 = tpu.vector_load %arg10[%swap3A_369, %swap3A_370] {strides = array<i32>} : memref<16x128xbf16, #tpu.memory_space<vmem>>, vector<1x32xbf16>,
      %swap3A_372 = vector.shape_cast %swap3A_371 : vector<1x32xbf16> to vector<32xbf16>
      %swap3A_373 = vector.shape_cast %scan3A_365#0 : vector<32xbf16> to vector<1x32xbf16>
      tpu.vector_store %arg10[%swap3A_369, %swap3A_370], %swap3A_373 {strides = array<i32>} : memref<16x128xbf16, #tpu.memory_space<vmem>>, vector<1x32xbf16>,
      %add3A_374 = arith.constant 3 : i32
      %add3A_375 = arith.addi %add3A_221, %add3A_374 : i32
      %swap3A_376 = arith.index_cast %add3A_375 : i32 to index
      %swap3A_377 = arith.constant 32 : index
      %swap3A_378 = tpu.vector_load %arg10[%swap3A_376, %swap3A_377] {strides = array<i32>} : memref<16x128xbf16, #tpu.memory_space<vmem>>, vector<1x32xbf16>,
      %swap3A_379 = vector.shape_cast %swap3A_378 : vector<1x32xbf16> to vector<32xbf16>
      %swap3A_380 = vector.shape_cast %scan3A_365#1 : vector<32xbf16> to vector<1x32xbf16>
      tpu.vector_store %arg10[%swap3A_376, %swap3A_377], %swap3A_380 {strides = array<i32>} : memref<16x128xbf16, #tpu.memory_space<vmem>>, vector<1x32xbf16>,
      %add3A_381 = arith.constant 3 : i32
      %add3A_382 = arith.addi %add3A_221, %add3A_381 : i32
      %swap3A_383 = arith.index_cast %add3A_382 : i32 to index
      %swap3A_384 = arith.constant 64 : index
      %swap3A_385 = tpu.vector_load %arg10[%swap3A_383, %swap3A_384] {strides = array<i32>} : memref<16x128xbf16, #tpu.memory_space<vmem>>, vector<1x32xbf16>,
      %swap3A_386 = vector.shape_cast %swap3A_385 : vector<1x32xbf16> to vector<32xbf16>
      %swap3A_387 = vector.shape_cast %scan3A_365#2 : vector<32xbf16> to vector<1x32xbf16>
      tpu.vector_store %arg10[%swap3A_383, %swap3A_384], %swap3A_387 {strides = array<i32>} : memref<16x128xbf16, #tpu.memory_space<vmem>>, vector<1x32xbf16>,
      %add3A_388 = arith.constant 3 : i32
      %add3A_389 = arith.addi %add3A_221, %add3A_388 : i32
      %swap3A_390 = arith.index_cast %add3A_389 : i32 to index
      %swap3A_391 = arith.constant 96 : index
      %swap3A_392 = tpu.vector_load %arg10[%swap3A_390, %swap3A_391] {strides = array<i32>} : memref<16x128xbf16, #tpu.memory_space<vmem>>, vector<1x32xbf16>,
      %swap3A_393 = vector.shape_cast %swap3A_392 : vector<1x32xbf16> to vector<32xbf16>
      %swap3A_394 = vector.shape_cast %scan3A_365#3 : vector<32xbf16> to vector<1x32xbf16>
      tpu.vector_store %arg10[%swap3A_390, %swap3A_391], %swap3A_394 {strides = array<i32>} : memref<16x128xbf16, #tpu.memory_space<vmem>>, vector<1x32xbf16>,
      %rem3A_395 = arith.constant 2 : i32
      %rem3A_396 = arith.remsi %while3A_152, %rem3A_395 : i32
      %eq3A_397 = arith.constant 1 : i32
      %eq3A_398 = arith.cmpi eq, %rem3A_396, %eq3A_397 : i32
      %convert_element_type3A_399 = arith.extui %eq3A_398 : i1 to i32
      %cond3A_400 = arith.constant 0 : i32
      %cond3A_401 = arith.cmpi ne, %convert_element_type3A_399, %cond3A_400 : i32
      scf.if %cond3A_401 {
        %mul3A_402 = arith.constant 2 : i32
        %mul3A_403 = arith.muli %mul3A_402, %select_n3A_197 : i32
        %add3A_404 = arith.addi %add3A, %mul3A_403 : i32
        %mul3A_405 = arith.constant 4 : i32
        %mul3A_406 = arith.muli %add3A_404, %mul3A_405 : i32
        %rem3A_407 = arith.constant 2 : i32
        %rem3A_408 = arith.remsi %select_n3A_197, %rem3A_407 : i32
        %mul3A_409 = arith.constant 2 : i32
        %mul3A_410 = arith.muli %rem3A_408, %mul3A_409 : i32
        %mul3A_411 = arith.constant 4 : i32
        %mul3A_412 = arith.muli %mul3A_410, %mul3A_411 : i32
        %dma_start3A_413 = arith.constant 0 : i32
        %dma_start3A_414 = tpu.memref_slice %arg10[%mul3A_412, %dma_start3A_413] : memref<16x128xbf16, #tpu.memory_space<vmem>> -> memref<8x128xbf16, #tpu.memory_space<vmem>>
        %dma_start3A_415 = arith.constant 0 : i32
        %dma_start3A_416 = tpu.memref_slice %arg6[%mul3A_406, %dma_start3A_415] : memref<10240x128xbf16, #tpu.memory_space<hbm>> -> memref<8x128xbf16, #tpu.memory_space<hbm>>
        %dma_start3A_417 = arith.constant 0 : i32
        %dma_start3A_418 = tpu.memref_slice %arg6[%mul3A_406, %dma_start3A_417] : memref<10240x128xbf16, #tpu.memory_space<hbm>> -> memref<8x128xbf16, #tpu.memory_space<hbm>>
        %dma_start3A_419 = arith.constant 0 : i32
        %dma_start3A_420 = tpu.memref_slice %arg10[%mul3A_412, %dma_start3A_419] : memref<16x128xbf16, #tpu.memory_space<vmem>> -> memref<8x128xbf16, #tpu.memory_space<vmem>>
        tpu.enqueue_dma source(%dma_start3A_420 : memref<8x128xbf16, #tpu.memory_space<vmem>>) target(%dma_start3A_418 : memref<8x128xbf16, #tpu.memory_space<hbm>>) target_semaphore(%arg13 : memref<!tpu.dma_semaphore, #tpu.memory_space<semaphore_mem>>)
      } else {
      }
    }
    %while3A_66 = arith.constant 1 : i32
    scf.for %while3A_152 = %while3A_64 to %while3A_60 step %while3A_66  : i32 {
      %add3A_153 = arith.constant 1 : i32
      %add3A_154 = arith.addi %while3A_152, %add3A_153 : i32
      %lt3A = arith.cmpi slt, %add3A_154, %select_n3A : i32
      %convert_element_type3A = arith.extui %lt3A : i1 to i32
      %cond3A = arith.constant 0 : i32
      %cond3A_155 = arith.cmpi ne, %convert_element_type3A, %cond3A : i32
      scf.if %cond3A_155 {
        %add3A_402 = arith.constant 1 : i32
        %add3A_403 = arith.addi %while3A_152, %add3A_402 : i32
        %rem3A_404 = arith.constant 3 : i32
        %rem3A_405 = arith.remsi %add3A_403, %rem3A_404 : i32
        %mul3A_406 = arith.constant 128 : i32
        %mul3A_407 = arith.muli %rem3A_405, %mul3A_406 : i32
        %dma_wait3A_408 = arith.constant 0 : i32
        %dma_wait3A_409 = tpu.memref_slice %arg9[%mul3A_407, %dma_wait3A_408] : memref<384x128xbf16, #tpu.memory_space<vmem>> -> memref<128x128xbf16, #tpu.memory_space<vmem>>
        %dma_wait3A_410 = arith.constant 0 : i32
        %dma_wait3A_411 = tpu.memref_slice %arg7[%add3A_403, %dma_wait3A_410] : memref<112x128xi32, #tpu.memory_space<vmem>> -> memref<1x128xi32, #tpu.memory_space<vmem>>
        %dma_wait3A_412 = tpu.memref_squeeze %dma_wait3A_411 : memref<1x128xi32, #tpu.memory_space<vmem>> -> memref<128xi32, #tpu.memory_space<vmem>>
        %dma_wait3A_413 = arith.constant 0 : i32
        %dma_wait3A_414 = arith.constant 0 : i32
        %dma_wait3A_415 = tpu.memref_slice %arg2[%dma_wait3A_413, %dma_wait3A_414] : memref<10240x128xbf16, #tpu.memory_space<hbm>> -> memref<10240x128xbf16, #tpu.memory_space<hbm>>
        tpu.wait_indirect_dma semaphore(%arg11 : memref<!tpu.dma_semaphore, #tpu.memory_space<semaphore_mem>>) src(%dma_wait3A_415 : memref<10240x128xbf16, #tpu.memory_space<hbm>>) dst(%dma_wait3A_409 : memref<128x128xbf16, #tpu.memory_space<vmem>>)
        %add3A_416 = arith.constant 1 : i32
        %add3A_417 = arith.addi %while3A_152, %add3A_416 : i32
        %rem3A_418 = arith.constant 3 : i32
        %rem3A_419 = arith.remsi %add3A_417, %rem3A_418 : i32
        %mul3A_420 = arith.constant 128 : i32
        %mul3A_421 = arith.muli %rem3A_419, %mul3A_420 : i32
        %dma_start3A_422 = arith.constant 0 : i32
        %dma_start3A_423 = tpu.memref_slice %arg9[%mul3A_421, %dma_start3A_422] : memref<384x128xbf16, #tpu.memory_space<vmem>> -> memref<128x128xbf16, #tpu.memory_space<vmem>>
        %dma_start3A_424 = arith.constant 0 : i32
        %dma_start3A_425 = tpu.memref_slice %arg8[%add3A_417, %dma_start3A_424] : memref<112x128xi32, #tpu.memory_space<vmem>> -> memref<1x128xi32, #tpu.memory_space<vmem>>
        %dma_start3A_426 = tpu.memref_squeeze %dma_start3A_425 : memref<1x128xi32, #tpu.memory_space<vmem>> -> memref<128xi32, #tpu.memory_space<vmem>>
        %dma_start3A_427 = arith.constant 0 : i32
        %dma_start3A_428 = arith.constant 0 : i32
        %dma_start3A_429 = tpu.memref_slice %arg3[%dma_start3A_427, %dma_start3A_428] : memref<10240x128xbf16, #tpu.memory_space<hbm>> -> memref<10240x128xbf16, #tpu.memory_space<hbm>>
        tpu.enqueue_indirect_dma source(%dma_start3A_429 : memref<10240x128xbf16, #tpu.memory_space<hbm>>) target(%dma_start3A_423 : memref<128x128xbf16, #tpu.memory_space<vmem>>) offsets(%dma_start3A_426 : memref<128xi32, #tpu.memory_space<vmem>>) semaphore(%arg12 : memref<!tpu.dma_semaphore, #tpu.memory_space<semaphore_mem>>) {add = true}
      } else {
      }
      %add3A_156 = arith.constant 2 : i32
      %add3A_157 = arith.addi %while3A_152, %add3A_156 : i32
      %lt3A_158 = arith.cmpi slt, %add3A_157, %select_n3A : i32
      %convert_element_type3A_159 = arith.extui %lt3A_158 : i1 to i32
      %cond3A_160 = arith.constant 0 : i32
      %cond3A_161 = arith.cmpi ne, %convert_element_type3A_159, %cond3A_160 : i32
      scf.if %cond3A_161 {
        %add3A_402 = arith.constant 2 : i32
        %add3A_403 = arith.addi %while3A_152, %add3A_402 : i32
        %rem3A_404 = arith.constant 3 : i32
        %rem3A_405 = arith.remsi %add3A_403, %rem3A_404 : i32
        %mul3A_406 = arith.constant 128 : i32
        %mul3A_407 = arith.muli %rem3A_405, %mul3A_406 : i32
        %dma_start3A_408 = arith.constant 0 : i32
        %dma_start3A_409 = tpu.memref_slice %arg9[%mul3A_407, %dma_start3A_408] : memref<384x128xbf16, #tpu.memory_space<vmem>> -> memref<128x128xbf16, #tpu.memory_space<vmem>>
        %dma_start3A_410 = arith.constant 0 : i32
        %dma_start3A_411 = tpu.memref_slice %arg7[%add3A_403, %dma_start3A_410] : memref<112x128xi32, #tpu.memory_space<vmem>> -> memref<1x128xi32, #tpu.memory_space<vmem>>
        %dma_start3A_412 = tpu.memref_squeeze %dma_start3A_411 : memref<1x128xi32, #tpu.memory_space<vmem>> -> memref<128xi32, #tpu.memory_space<vmem>>
        %dma_start3A_413 = arith.constant 0 : i32
        %dma_start3A_414 = arith.constant 0 : i32
        %dma_start3A_415 = tpu.memref_slice %arg2[%dma_start3A_413, %dma_start3A_414] : memref<10240x128xbf16, #tpu.memory_space<hbm>> -> memref<10240x128xbf16, #tpu.memory_space<hbm>>
        tpu.enqueue_indirect_dma source(%dma_start3A_415 : memref<10240x128xbf16, #tpu.memory_space<hbm>>) target(%dma_start3A_409 : memref<128x128xbf16, #tpu.memory_space<vmem>>) offsets(%dma_start3A_412 : memref<128xi32, #tpu.memory_space<vmem>>) semaphore(%arg11 : memref<!tpu.dma_semaphore, #tpu.memory_space<semaphore_mem>>)
      } else {
      }
      %rem3A_162 = arith.constant 3 : i32
      %rem3A_163 = arith.remsi %while3A_152, %rem3A_162 : i32
      %mul3A_164 = arith.constant 128 : i32
      %mul3A_165 = arith.muli %rem3A_163, %mul3A_164 : i32
      %dma_wait3A_166 = arith.constant 0 : i32
      %dma_wait3A_167 = tpu.memref_slice %arg9[%mul3A_165, %dma_wait3A_166] : memref<384x128xbf16, #tpu.memory_space<vmem>> -> memref<128x128xbf16, #tpu.memory_space<vmem>>
      %dma_wait3A_168 = arith.constant 0 : i32
      %dma_wait3A_169 = tpu.memref_slice %arg8[%while3A_152, %dma_wait3A_168] : memref<112x128xi32, #tpu.memory_space<vmem>> -> memref<1x128xi32, #tpu.memory_space<vmem>>
      %dma_wait3A_170 = tpu.memref_squeeze %dma_wait3A_169 : memref<1x128xi32, #tpu.memory_space<vmem>> -> memref<128xi32, #tpu.memory_space<vmem>>
      %dma_wait3A_171 = arith.constant 0 : i32
      %dma_wait3A_172 = arith.constant 0 : i32
      %dma_wait3A_173 = tpu.memref_slice %arg3[%dma_wait3A_171, %dma_wait3A_172] : memref<10240x128xbf16, #tpu.memory_space<hbm>> -> memref<10240x128xbf16, #tpu.memory_space<hbm>>
      tpu.wait_indirect_dma semaphore(%arg12 : memref<!tpu.dma_semaphore, #tpu.memory_space<semaphore_mem>>) src(%dma_wait3A_173 : memref<10240x128xbf16, #tpu.memory_space<hbm>>) dst(%dma_wait3A_167 : memref<128x128xbf16, #tpu.memory_space<vmem>>)
      %jit3A_174 = arith.constant 2 : i32
      %div3A_175 = arith.divsi %while3A_152, %jit3A_174 : i32
      %sign3A_176 = arith.constant 0 : i32
      %sign3A_177 = arith.cmpi sgt, %while3A_152, %sign3A_176 : i32
      %sign3A_178 = arith.extui %sign3A_177 : i1 to i32
      %sign3A_179 = arith.constant 0 : i32
      %sign3A_180 = arith.cmpi slt, %while3A_152, %sign3A_179 : i32
      %sign3A_181 = arith.extui %sign3A_180 : i1 to i32
      %sign3A_182 = arith.subi %sign3A_178, %sign3A_181 : i32
      %sign3A_183 = arith.constant 0 : i32
      %sign3A_184 = arith.cmpi sgt, %jit3A_174, %sign3A_183 : i32
      %sign3A_185 = arith.extui %sign3A_184 : i1 to i32
      %sign3A_186 = arith.constant 0 : i32
      %sign3A_187 = arith.cmpi slt, %jit3A_174, %sign3A_186 : i32
      %sign3A_188 = arith.extui %sign3A_187 : i1 to i32
      %sign3A_189 = arith.subi %sign3A_185, %sign3A_188 : i32
      %ne3A_190 = arith.cmpi ne, %sign3A_182, %sign3A_189 : i32
      %rem3A_191 = arith.remsi %while3A_152, %jit3A_174 : i32
      %ne3A_192 = arith.constant 0 : i32
      %ne3A_193 = arith.cmpi ne, %rem3A_191, %ne3A_192 : i32
      %and3A_194 = arith.andi %ne3A_190, %ne3A_193 : i1
      %sub3A_195 = arith.constant 1 : i32
      %sub3A_196 = arith.subi %div3A_175, %sub3A_195 : i32
      %select_n3A_197 = arith.select %and3A_194, %sub3A_196, %div3A_175 : i32
      %rem3A_198 = arith.constant 2 : i32
      %rem3A_199 = arith.remsi %while3A_152, %rem3A_198 : i32
      %eq3A_200 = arith.constant 0 : i32
      %eq3A_201 = arith.cmpi eq, %rem3A_199, %eq3A_200 : i32
      %ge3A = arith.constant 2 : i32
      %ge3A_202 = arith.cmpi sge, %select_n3A_197, %ge3A : i32
      %and3A_203 = arith.andi %eq3A_201, %ge3A_202 : i1
      %convert_element_type3A_204 = arith.extui %and3A_203 : i1 to i32
      %cond3A_205 = arith.constant 0 : i32
      %cond3A_206 = arith.cmpi ne, %convert_element_type3A_204, %cond3A_205 : i32
      scf.if %cond3A_206 {
        %sub3A_402 = arith.constant 2 : i32
        %sub3A_403 = arith.subi %select_n3A_197, %sub3A_402 : i32
        %mul3A_404 = arith.constant 2 : i32
        %mul3A_405 = arith.muli %mul3A_404, %sub3A_403 : i32
        %add3A_406 = arith.addi %add3A, %mul3A_405 : i32
        %mul3A_407 = arith.constant 4 : i32
        %mul3A_408 = arith.muli %add3A_406, %mul3A_407 : i32
        %rem3A_409 = arith.constant 2 : i32
        %rem3A_410 = arith.remsi %sub3A_403, %rem3A_409 : i32
        %mul3A_411 = arith.constant 2 : i32
        %mul3A_412 = arith.muli %rem3A_410, %mul3A_411 : i32
        %mul3A_413 = arith.constant 4 : i32
        %mul3A_414 = arith.muli %mul3A_412, %mul3A_413 : i32
        %dma_wait3A_415 = arith.constant 0 : i32
        %dma_wait3A_416 = tpu.memref_slice %arg10[%mul3A_414, %dma_wait3A_415] : memref<16x128xbf16, #tpu.memory_space<vmem>> -> memref<8x128xbf16, #tpu.memory_space<vmem>>
        %dma_wait3A_417 = arith.constant 0 : i32
        %dma_wait3A_418 = tpu.memref_slice %arg6[%mul3A_408, %dma_wait3A_417] : memref<10240x128xbf16, #tpu.memory_space<hbm>> -> memref<8x128xbf16, #tpu.memory_space<hbm>>
        %dma_wait3A_419 = arith.constant 0 : i32
        %dma_wait3A_420 = tpu.memref_slice %arg6[%mul3A_408, %dma_wait3A_419] : memref<10240x128xbf16, #tpu.memory_space<hbm>> -> memref<8x128xbf16, #tpu.memory_space<hbm>>
        %dma_wait3A_421 = arith.constant 0 : i32
        %dma_wait3A_422 = tpu.memref_slice %arg10[%mul3A_414, %dma_wait3A_421] : memref<16x128xbf16, #tpu.memory_space<vmem>> -> memref<8x128xbf16, #tpu.memory_space<vmem>>
        tpu.wait_dma2 semaphore(%arg13 : memref<!tpu.dma_semaphore, #tpu.memory_space<semaphore_mem>>) src(%dma_wait3A_422 : memref<8x128xbf16, #tpu.memory_space<vmem>>) dst(%dma_wait3A_420 : memref<8x128xbf16, #tpu.memory_space<hbm>>)
      } else {
      }
      %rem3A_207 = arith.constant 3 : i32
      %rem3A_208 = arith.remsi %while3A_152, %rem3A_207 : i32
      %mul3A_209 = arith.constant 128 : i32
      %mul3A_210 = arith.muli %rem3A_208, %mul3A_209 : i32
      %rem3A_211 = arith.constant 2 : i32
      %rem3A_212 = arith.remsi %select_n3A_197, %rem3A_211 : i32
      %mul3A_213 = arith.constant 2 : i32
      %mul3A_214 = arith.muli %rem3A_212, %mul3A_213 : i32
      %mul3A_215 = arith.constant 4 : i32
      %mul3A_216 = arith.muli %mul3A_214, %mul3A_215 : i32
      %rem3A_217 = arith.constant 2 : i32
      %rem3A_218 = arith.remsi %while3A_152, %rem3A_217 : i32
      %mul3A_219 = arith.constant 4 : i32
      %mul3A_220 = arith.muli %rem3A_218, %mul3A_219 : i32
      %add3A_221 = arith.addi %mul3A_216, %mul3A_220 : i32
      %add3A_222 = arith.constant 0 : i32
      %add3A_223 = arith.addi %mul3A_210, %add3A_222 : i32
      %broadcast_in_dim3A = arith.constant 0.000000e+00 : bf16
      %broadcast_in_dim3A_224 = vector.broadcast %broadcast_in_dim3A : bf16 to vector<32xbf16>
      %broadcast_in_dim3A_225 = arith.constant 0.000000e+00 : bf16
      %broadcast_in_dim3A_226 = vector.broadcast %broadcast_in_dim3A_225 : bf16 to vector<32xbf16>
      %broadcast_in_dim3A_227 = arith.constant 0.000000e+00 : bf16
      %broadcast_in_dim3A_228 = vector.broadcast %broadcast_in_dim3A_227 : bf16 to vector<32xbf16>
      %broadcast_in_dim3A_229 = arith.constant 0.000000e+00 : bf16
      %broadcast_in_dim3A_230 = vector.broadcast %broadcast_in_dim3A_229 : bf16 to vector<32xbf16>
      %scan3A = arith.constant 0 : i32
      %scan3A_231 = arith.constant 32 : i32
      %scan3A_232 = arith.addi %scan3A, %scan3A_231 : i32
      %scan3A_233 = arith.constant 1 : i32
      %scan3A_234:4 = scf.for %scan3A_402 = %scan3A to %scan3A_232 step %scan3A_233 iter_args(%scan3A_403 = %broadcast_in_dim3A_224, %scan3A_404 = %broadcast_in_dim3A_226, %scan3A_405 = %broadcast_in_dim3A_228, %scan3A_406 = %broadcast_in_dim3A_230) -> (vector<32xbf16>, vector<32xbf16>, vector<32xbf16>, vector<32xbf16>)  : i32 {
        %add3A_407 = arith.addi %add3A_223, %scan3A_402 : i32
        %get3A = arith.index_cast %add3A_407 : i32 to index
        %get3A_408 = arith.constant 0 : index
        %get3A_409 = tpu.vector_load %arg9[%get3A, %get3A_408] {strides = array<i32>} : memref<384x128xbf16, #tpu.memory_space<vmem>>, vector<1x32xbf16>,
        %get3A_410 = vector.shape_cast %get3A_409 : vector<1x32xbf16> to vector<32xbf16>
        %max3A = arith.maximumf %scan3A_403, %get3A_410 : vector<32xbf16>
        %add3A_411 = arith.addi %add3A_223, %scan3A_402 : i32
        %get3A_412 = arith.index_cast %add3A_411 : i32 to index
        %get3A_413 = arith.constant 32 : index
        %get3A_414 = tpu.vector_load %arg9[%get3A_412, %get3A_413] {strides = array<i32>} : memref<384x128xbf16, #tpu.memory_space<vmem>>, vector<1x32xbf16>,
        %get3A_415 = vector.shape_cast %get3A_414 : vector<1x32xbf16> to vector<32xbf16>
        %max3A_416 = arith.maximumf %scan3A_404, %get3A_415 : vector<32xbf16>
        %add3A_417 = arith.addi %add3A_223, %scan3A_402 : i32
        %get3A_418 = arith.index_cast %add3A_417 : i32 to index
        %get3A_419 = arith.constant 64 : index
        %get3A_420 = tpu.vector_load %arg9[%get3A_418, %get3A_419] {strides = array<i32>} : memref<384x128xbf16, #tpu.memory_space<vmem>>, vector<1x32xbf16>,
        %get3A_421 = vector.shape_cast %get3A_420 : vector<1x32xbf16> to vector<32xbf16>
        %max3A_422 = arith.maximumf %scan3A_405, %get3A_421 : vector<32xbf16>
        %add3A_423 = arith.addi %add3A_223, %scan3A_402 : i32
        %get3A_424 = arith.index_cast %add3A_423 : i32 to index
        %get3A_425 = arith.constant 96 : index
        %get3A_426 = tpu.vector_load %arg9[%get3A_424, %get3A_425] {strides = array<i32>} : memref<384x128xbf16, #tpu.memory_space<vmem>>, vector<1x32xbf16>,
        %get3A_427 = vector.shape_cast %get3A_426 : vector<1x32xbf16> to vector<32xbf16>
        %max3A_428 = arith.maximumf %scan3A_406, %get3A_427 : vector<32xbf16>
        scf.yield %max3A, %max3A_416, %max3A_422, %max3A_428 : vector<32xbf16>, vector<32xbf16>, vector<32xbf16>, vector<32xbf16>
      }
      %scan3A_235 = arith.constant 32 : i32
      %add3A_236 = arith.constant 0 : i32
      %add3A_237 = arith.addi %add3A_221, %add3A_236 : i32
      %swap3A = arith.index_cast %add3A_237 : i32 to index
      %swap3A_238 = arith.constant 0 : index
      %swap3A_239 = tpu.vector_load %arg10[%swap3A, %swap3A_238] {strides = array<i32>} : memref<16x128xbf16, #tpu.memory_space<vmem>>, vector<1x32xbf16>,
      %swap3A_240 = vector.shape_cast %swap3A_239 : vector<1x32xbf16> to vector<32xbf16>
      %swap3A_241 = vector.shape_cast %scan3A_234#0 : vector<32xbf16> to vector<1x32xbf16>
      tpu.vector_store %arg10[%swap3A, %swap3A_238], %swap3A_241 {strides = array<i32>} : memref<16x128xbf16, #tpu.memory_space<vmem>>, vector<1x32xbf16>,
      %add3A_242 = arith.constant 0 : i32
      %add3A_243 = arith.addi %add3A_221, %add3A_242 : i32
      %swap3A_244 = arith.index_cast %add3A_243 : i32 to index
      %swap3A_245 = arith.constant 32 : index
      %swap3A_246 = tpu.vector_load %arg10[%swap3A_244, %swap3A_245] {strides = array<i32>} : memref<16x128xbf16, #tpu.memory_space<vmem>>, vector<1x32xbf16>,
      %swap3A_247 = vector.shape_cast %swap3A_246 : vector<1x32xbf16> to vector<32xbf16>
      %swap3A_248 = vector.shape_cast %scan3A_234#1 : vector<32xbf16> to vector<1x32xbf16>
      tpu.vector_store %arg10[%swap3A_244, %swap3A_245], %swap3A_248 {strides = array<i32>} : memref<16x128xbf16, #tpu.memory_space<vmem>>, vector<1x32xbf16>,
      %add3A_249 = arith.constant 0 : i32
      %add3A_250 = arith.addi %add3A_221, %add3A_249 : i32
      %swap3A_251 = arith.index_cast %add3A_250 : i32 to index
      %swap3A_252 = arith.constant 64 : index
      %swap3A_253 = tpu.vector_load %arg10[%swap3A_251, %swap3A_252] {strides = array<i32>} : memref<16x128xbf16, #tpu.memory_space<vmem>>, vector<1x32xbf16>,
      %swap3A_254 = vector.shape_cast %swap3A_253 : vector<1x32xbf16> to vector<32xbf16>
      %swap3A_255 = vector.shape_cast %scan3A_234#2 : vector<32xbf16> to vector<1x32xbf16>
      tpu.vector_store %arg10[%swap3A_251, %swap3A_252], %swap3A_255 {strides = array<i32>} : memref<16x128xbf16, #tpu.memory_space<vmem>>, vector<1x32xbf16>,
      %add3A_256 = arith.constant 0 : i32
      %add3A_257 = arith.addi %add3A_221, %add3A_256 : i32
      %swap3A_258 = arith.index_cast %add3A_257 : i32 to index
      %swap3A_259 = arith.constant 96 : index
      %swap3A_260 = tpu.vector_load %arg10[%swap3A_258, %swap3A_259] {strides = array<i32>} : memref<16x128xbf16, #tpu.memory_space<vmem>>, vector<1x32xbf16>,
      %swap3A_261 = vector.shape_cast %swap3A_260 : vector<1x32xbf16> to vector<32xbf16>
      %swap3A_262 = vector.shape_cast %scan3A_234#3 : vector<32xbf16> to vector<1x32xbf16>
      tpu.vector_store %arg10[%swap3A_258, %swap3A_259], %swap3A_262 {strides = array<i32>} : memref<16x128xbf16, #tpu.memory_space<vmem>>, vector<1x32xbf16>,
      %add3A_263 = arith.constant 32 : i32
      %add3A_264 = arith.addi %mul3A_210, %add3A_263 : i32
      %broadcast_in_dim3A_265 = arith.constant 0.000000e+00 : bf16
      %broadcast_in_dim3A_266 = vector.broadcast %broadcast_in_dim3A_265 : bf16 to vector<32xbf16>
      %broadcast_in_dim3A_267 = arith.constant 0.000000e+00 : bf16
      %broadcast_in_dim3A_268 = vector.broadcast %broadcast_in_dim3A_267 : bf16 to vector<32xbf16>
      %broadcast_in_dim3A_269 = arith.constant 0.000000e+00 : bf16
      %broadcast_in_dim3A_270 = vector.broadcast %broadcast_in_dim3A_269 : bf16 to vector<32xbf16>
      %broadcast_in_dim3A_271 = arith.constant 0.000000e+00 : bf16
      %broadcast_in_dim3A_272 = vector.broadcast %broadcast_in_dim3A_271 : bf16 to vector<32xbf16>
      %scan3A_273 = arith.constant 0 : i32
      %scan3A_274 = arith.constant 32 : i32
      %scan3A_275 = arith.addi %scan3A_273, %scan3A_274 : i32
      %scan3A_276 = arith.constant 1 : i32
      %scan3A_277:4 = scf.for %scan3A_402 = %scan3A_273 to %scan3A_275 step %scan3A_276 iter_args(%scan3A_403 = %broadcast_in_dim3A_266, %scan3A_404 = %broadcast_in_dim3A_268, %scan3A_405 = %broadcast_in_dim3A_270, %scan3A_406 = %broadcast_in_dim3A_272) -> (vector<32xbf16>, vector<32xbf16>, vector<32xbf16>, vector<32xbf16>)  : i32 {
        %add3A_407 = arith.addi %add3A_264, %scan3A_402 : i32
        %get3A = arith.index_cast %add3A_407 : i32 to index
        %get3A_408 = arith.constant 0 : index
        %get3A_409 = tpu.vector_load %arg9[%get3A, %get3A_408] {strides = array<i32>} : memref<384x128xbf16, #tpu.memory_space<vmem>>, vector<1x32xbf16>,
        %get3A_410 = vector.shape_cast %get3A_409 : vector<1x32xbf16> to vector<32xbf16>
        %max3A = arith.maximumf %scan3A_403, %get3A_410 : vector<32xbf16>
        %add3A_411 = arith.addi %add3A_264, %scan3A_402 : i32
        %get3A_412 = arith.index_cast %add3A_411 : i32 to index
        %get3A_413 = arith.constant 32 : index
        %get3A_414 = tpu.vector_load %arg9[%get3A_412, %get3A_413] {strides = array<i32>} : memref<384x128xbf16, #tpu.memory_space<vmem>>, vector<1x32xbf16>,
        %get3A_415 = vector.shape_cast %get3A_414 : vector<1x32xbf16> to vector<32xbf16>
        %max3A_416 = arith.maximumf %scan3A_404, %get3A_415 : vector<32xbf16>
        %add3A_417 = arith.addi %add3A_264, %scan3A_402 : i32
        %get3A_418 = arith.index_cast %add3A_417 : i32 to index
        %get3A_419 = arith.constant 64 : index
        %get3A_420 = tpu.vector_load %arg9[%get3A_418, %get3A_419] {strides = array<i32>} : memref<384x128xbf16, #tpu.memory_space<vmem>>, vector<1x32xbf16>,
        %get3A_421 = vector.shape_cast %get3A_420 : vector<1x32xbf16> to vector<32xbf16>
        %max3A_422 = arith.maximumf %scan3A_405, %get3A_421 : vector<32xbf16>
        %add3A_423 = arith.addi %add3A_264, %scan3A_402 : i32
        %get3A_424 = arith.index_cast %add3A_423 : i32 to index
        %get3A_425 = arith.constant 96 : index
        %get3A_426 = tpu.vector_load %arg9[%get3A_424, %get3A_425] {strides = array<i32>} : memref<384x128xbf16, #tpu.memory_space<vmem>>, vector<1x32xbf16>,
        %get3A_427 = vector.shape_cast %get3A_426 : vector<1x32xbf16> to vector<32xbf16>
        %max3A_428 = arith.maximumf %scan3A_406, %get3A_427 : vector<32xbf16>
        scf.yield %max3A, %max3A_416, %max3A_422, %max3A_428 : vector<32xbf16>, vector<32xbf16>, vector<32xbf16>, vector<32xbf16>
      }
      %scan3A_278 = arith.constant 32 : i32
      %add3A_279 = arith.constant 1 : i32
      %add3A_280 = arith.addi %add3A_221, %add3A_279 : i32
      %swap3A_281 = arith.index_cast %add3A_280 : i32 to index
      %swap3A_282 = arith.constant 0 : index
      %swap3A_283 = tpu.vector_load %arg10[%swap3A_281, %swap3A_282] {strides = array<i32>} : memref<16x128xbf16, #tpu.memory_space<vmem>>, vector<1x32xbf16>,
      %swap3A_284 = vector.shape_cast %swap3A_283 : vector<1x32xbf16> to vector<32xbf16>
      %swap3A_285 = vector.shape_cast %scan3A_277#0 : vector<32xbf16> to vector<1x32xbf16>
      tpu.vector_store %arg10[%swap3A_281, %swap3A_282], %swap3A_285 {strides = array<i32>} : memref<16x128xbf16, #tpu.memory_space<vmem>>, vector<1x32xbf16>,
      %add3A_286 = arith.constant 1 : i32
      %add3A_287 = arith.addi %add3A_221, %add3A_286 : i32
      %swap3A_288 = arith.index_cast %add3A_287 : i32 to index
      %swap3A_289 = arith.constant 32 : index
      %swap3A_290 = tpu.vector_load %arg10[%swap3A_288, %swap3A_289] {strides = array<i32>} : memref<16x128xbf16, #tpu.memory_space<vmem>>, vector<1x32xbf16>,
      %swap3A_291 = vector.shape_cast %swap3A_290 : vector<1x32xbf16> to vector<32xbf16>
      %swap3A_292 = vector.shape_cast %scan3A_277#1 : vector<32xbf16> to vector<1x32xbf16>
      tpu.vector_store %arg10[%swap3A_288, %swap3A_289], %swap3A_292 {strides = array<i32>} : memref<16x128xbf16, #tpu.memory_space<vmem>>, vector<1x32xbf16>,
      %add3A_293 = arith.constant 1 : i32
      %add3A_294 = arith.addi %add3A_221, %add3A_293 : i32
      %swap3A_295 = arith.index_cast %add3A_294 : i32 to index
      %swap3A_296 = arith.constant 64 : index
      %swap3A_297 = tpu.vector_load %arg10[%swap3A_295, %swap3A_296] {strides = array<i32>} : memref<16x128xbf16, #tpu.memory_space<vmem>>, vector<1x32xbf16>,
      %swap3A_298 = vector.shape_cast %swap3A_297 : vector<1x32xbf16> to vector<32xbf16>
      %swap3A_299 = vector.shape_cast %scan3A_277#2 : vector<32xbf16> to vector<1x32xbf16>
      tpu.vector_store %arg10[%swap3A_295, %swap3A_296], %swap3A_299 {strides = array<i32>} : memref<16x128xbf16, #tpu.memory_space<vmem>>, vector<1x32xbf16>,
      %add3A_300 = arith.constant 1 : i32
      %add3A_301 = arith.addi %add3A_221, %add3A_300 : i32
      %swap3A_302 = arith.index_cast %add3A_301 : i32 to index
      %swap3A_303 = arith.constant 96 : index
      %swap3A_304 = tpu.vector_load %arg10[%swap3A_302, %swap3A_303] {strides = array<i32>} : memref<16x128xbf16, #tpu.memory_space<vmem>>, vector<1x32xbf16>,
      %swap3A_305 = vector.shape_cast %swap3A_304 : vector<1x32xbf16> to vector<32xbf16>
      %swap3A_306 = vector.shape_cast %scan3A_277#3 : vector<32xbf16> to vector<1x32xbf16>
      tpu.vector_store %arg10[%swap3A_302, %swap3A_303], %swap3A_306 {strides = array<i32>} : memref<16x128xbf16, #tpu.memory_space<vmem>>, vector<1x32xbf16>,
      %add3A_307 = arith.constant 64 : i32
      %add3A_308 = arith.addi %mul3A_210, %add3A_307 : i32
      %broadcast_in_dim3A_309 = arith.constant 0.000000e+00 : bf16
      %broadcast_in_dim3A_310 = vector.broadcast %broadcast_in_dim3A_309 : bf16 to vector<32xbf16>
      %broadcast_in_dim3A_311 = arith.constant 0.000000e+00 : bf16
      %broadcast_in_dim3A_312 = vector.broadcast %broadcast_in_dim3A_311 : bf16 to vector<32xbf16>
      %broadcast_in_dim3A_313 = arith.constant 0.000000e+00 : bf16
      %broadcast_in_dim3A_314 = vector.broadcast %broadcast_in_dim3A_313 : bf16 to vector<32xbf16>
      %broadcast_in_dim3A_315 = arith.constant 0.000000e+00 : bf16
      %broadcast_in_dim3A_316 = vector.broadcast %broadcast_in_dim3A_315 : bf16 to vector<32xbf16>
      %scan3A_317 = arith.constant 0 : i32
      %scan3A_318 = arith.constant 32 : i32
      %scan3A_319 = arith.addi %scan3A_317, %scan3A_318 : i32
      %scan3A_320 = arith.constant 1 : i32
      %scan3A_321:4 = scf.for %scan3A_402 = %scan3A_317 to %scan3A_319 step %scan3A_320 iter_args(%scan3A_403 = %broadcast_in_dim3A_310, %scan3A_404 = %broadcast_in_dim3A_312, %scan3A_405 = %broadcast_in_dim3A_314, %scan3A_406 = %broadcast_in_dim3A_316) -> (vector<32xbf16>, vector<32xbf16>, vector<32xbf16>, vector<32xbf16>)  : i32 {
        %add3A_407 = arith.addi %add3A_308, %scan3A_402 : i32
        %get3A = arith.index_cast %add3A_407 : i32 to index
        %get3A_408 = arith.constant 0 : index
        %get3A_409 = tpu.vector_load %arg9[%get3A, %get3A_408] {strides = array<i32>} : memref<384x128xbf16, #tpu.memory_space<vmem>>, vector<1x32xbf16>,
        %get3A_410 = vector.shape_cast %get3A_409 : vector<1x32xbf16> to vector<32xbf16>
        %max3A = arith.maximumf %scan3A_403, %get3A_410 : vector<32xbf16>
        %add3A_411 = arith.addi %add3A_308, %scan3A_402 : i32
        %get3A_412 = arith.index_cast %add3A_411 : i32 to index
        %get3A_413 = arith.constant 32 : index
        %get3A_414 = tpu.vector_load %arg9[%get3A_412, %get3A_413] {strides = array<i32>} : memref<384x128xbf16, #tpu.memory_space<vmem>>, vector<1x32xbf16>,
        %get3A_415 = vector.shape_cast %get3A_414 : vector<1x32xbf16> to vector<32xbf16>
        %max3A_416 = arith.maximumf %scan3A_404, %get3A_415 : vector<32xbf16>
        %add3A_417 = arith.addi %add3A_308, %scan3A_402 : i32
        %get3A_418 = arith.index_cast %add3A_417 : i32 to index
        %get3A_419 = arith.constant 64 : index
        %get3A_420 = tpu.vector_load %arg9[%get3A_418, %get3A_419] {strides = array<i32>} : memref<384x128xbf16, #tpu.memory_space<vmem>>, vector<1x32xbf16>,
        %get3A_421 = vector.shape_cast %get3A_420 : vector<1x32xbf16> to vector<32xbf16>
        %max3A_422 = arith.maximumf %scan3A_405, %get3A_421 : vector<32xbf16>
        %add3A_423 = arith.addi %add3A_308, %scan3A_402 : i32
        %get3A_424 = arith.index_cast %add3A_423 : i32 to index
        %get3A_425 = arith.constant 96 : index
        %get3A_426 = tpu.vector_load %arg9[%get3A_424, %get3A_425] {strides = array<i32>} : memref<384x128xbf16, #tpu.memory_space<vmem>>, vector<1x32xbf16>,
        %get3A_427 = vector.shape_cast %get3A_426 : vector<1x32xbf16> to vector<32xbf16>
        %max3A_428 = arith.maximumf %scan3A_406, %get3A_427 : vector<32xbf16>
        scf.yield %max3A, %max3A_416, %max3A_422, %max3A_428 : vector<32xbf16>, vector<32xbf16>, vector<32xbf16>, vector<32xbf16>
      }
      %scan3A_322 = arith.constant 32 : i32
      %add3A_323 = arith.constant 2 : i32
      %add3A_324 = arith.addi %add3A_221, %add3A_323 : i32
      %swap3A_325 = arith.index_cast %add3A_324 : i32 to index
      %swap3A_326 = arith.constant 0 : index
      %swap3A_327 = tpu.vector_load %arg10[%swap3A_325, %swap3A_326] {strides = array<i32>} : memref<16x128xbf16, #tpu.memory_space<vmem>>, vector<1x32xbf16>,
      %swap3A_328 = vector.shape_cast %swap3A_327 : vector<1x32xbf16> to vector<32xbf16>
      %swap3A_329 = vector.shape_cast %scan3A_321#0 : vector<32xbf16> to vector<1x32xbf16>
      tpu.vector_store %arg10[%swap3A_325, %swap3A_326], %swap3A_329 {strides = array<i32>} : memref<16x128xbf16, #tpu.memory_space<vmem>>, vector<1x32xbf16>,
      %add3A_330 = arith.constant 2 : i32
      %add3A_331 = arith.addi %add3A_221, %add3A_330 : i32
      %swap3A_332 = arith.index_cast %add3A_331 : i32 to index
      %swap3A_333 = arith.constant 32 : index
      %swap3A_334 = tpu.vector_load %arg10[%swap3A_332, %swap3A_333] {strides = array<i32>} : memref<16x128xbf16, #tpu.memory_space<vmem>>, vector<1x32xbf16>,
      %swap3A_335 = vector.shape_cast %swap3A_334 : vector<1x32xbf16> to vector<32xbf16>
      %swap3A_336 = vector.shape_cast %scan3A_321#1 : vector<32xbf16> to vector<1x32xbf16>
      tpu.vector_store %arg10[%swap3A_332, %swap3A_333], %swap3A_336 {strides = array<i32>} : memref<16x128xbf16, #tpu.memory_space<vmem>>, vector<1x32xbf16>,
      %add3A_337 = arith.constant 2 : i32
      %add3A_338 = arith.addi %add3A_221, %add3A_337 : i32
      %swap3A_339 = arith.index_cast %add3A_338 : i32 to index
      %swap3A_340 = arith.constant 64 : index
      %swap3A_341 = tpu.vector_load %arg10[%swap3A_339, %swap3A_340] {strides = array<i32>} : memref<16x128xbf16, #tpu.memory_space<vmem>>, vector<1x32xbf16>,
      %swap3A_342 = vector.shape_cast %swap3A_341 : vector<1x32xbf16> to vector<32xbf16>
      %swap3A_343 = vector.shape_cast %scan3A_321#2 : vector<32xbf16> to vector<1x32xbf16>
      tpu.vector_store %arg10[%swap3A_339, %swap3A_340], %swap3A_343 {strides = array<i32>} : memref<16x128xbf16, #tpu.memory_space<vmem>>, vector<1x32xbf16>,
      %add3A_344 = arith.constant 2 : i32
      %add3A_345 = arith.addi %add3A_221, %add3A_344 : i32
      %swap3A_346 = arith.index_cast %add3A_345 : i32 to index
      %swap3A_347 = arith.constant 96 : index
      %swap3A_348 = tpu.vector_load %arg10[%swap3A_346, %swap3A_347] {strides = array<i32>} : memref<16x128xbf16, #tpu.memory_space<vmem>>, vector<1x32xbf16>,
      %swap3A_349 = vector.shape_cast %swap3A_348 : vector<1x32xbf16> to vector<32xbf16>
      %swap3A_350 = vector.shape_cast %scan3A_321#3 : vector<32xbf16> to vector<1x32xbf16>
      tpu.vector_store %arg10[%swap3A_346, %swap3A_347], %swap3A_350 {strides = array<i32>} : memref<16x128xbf16, #tpu.memory_space<vmem>>, vector<1x32xbf16>,
      %add3A_351 = arith.constant 96 : i32
      %add3A_352 = arith.addi %mul3A_210, %add3A_351 : i32
      %broadcast_in_dim3A_353 = arith.constant 0.000000e+00 : bf16
      %broadcast_in_dim3A_354 = vector.broadcast %broadcast_in_dim3A_353 : bf16 to vector<32xbf16>
      %broadcast_in_dim3A_355 = arith.constant 0.000000e+00 : bf16
      %broadcast_in_dim3A_356 = vector.broadcast %broadcast_in_dim3A_355 : bf16 to vector<32xbf16>
      %broadcast_in_dim3A_357 = arith.constant 0.000000e+00 : bf16
      %broadcast_in_dim3A_358 = vector.broadcast %broadcast_in_dim3A_357 : bf16 to vector<32xbf16>
      %broadcast_in_dim3A_359 = arith.constant 0.000000e+00 : bf16
      %broadcast_in_dim3A_360 = vector.broadcast %broadcast_in_dim3A_359 : bf16 to vector<32xbf16>
      %scan3A_361 = arith.constant 0 : i32
      %scan3A_362 = arith.constant 32 : i32
      %scan3A_363 = arith.addi %scan3A_361, %scan3A_362 : i32
      %scan3A_364 = arith.constant 1 : i32
      %scan3A_365:4 = scf.for %scan3A_402 = %scan3A_361 to %scan3A_363 step %scan3A_364 iter_args(%scan3A_403 = %broadcast_in_dim3A_354, %scan3A_404 = %broadcast_in_dim3A_356, %scan3A_405 = %broadcast_in_dim3A_358, %scan3A_406 = %broadcast_in_dim3A_360) -> (vector<32xbf16>, vector<32xbf16>, vector<32xbf16>, vector<32xbf16>)  : i32 {
        %add3A_407 = arith.addi %add3A_352, %scan3A_402 : i32
        %get3A = arith.index_cast %add3A_407 : i32 to index
        %get3A_408 = arith.constant 0 : index
        %get3A_409 = tpu.vector_load %arg9[%get3A, %get3A_408] {strides = array<i32>} : memref<384x128xbf16, #tpu.memory_space<vmem>>, vector<1x32xbf16>,
        %get3A_410 = vector.shape_cast %get3A_409 : vector<1x32xbf16> to vector<32xbf16>
        %max3A = arith.maximumf %scan3A_403, %get3A_410 : vector<32xbf16>
        %add3A_411 = arith.addi %add3A_352, %scan3A_402 : i32
        %get3A_412 = arith.index_cast %add3A_411 : i32 to index
        %get3A_413 = arith.constant 32 : index
        %get3A_414 = tpu.vector_load %arg9[%get3A_412, %get3A_413] {strides = array<i32>} : memref<384x128xbf16, #tpu.memory_space<vmem>>, vector<1x32xbf16>,
        %get3A_415 = vector.shape_cast %get3A_414 : vector<1x32xbf16> to vector<32xbf16>
        %max3A_416 = arith.maximumf %scan3A_404, %get3A_415 : vector<32xbf16>
        %add3A_417 = arith.addi %add3A_352, %scan3A_402 : i32
        %get3A_418 = arith.index_cast %add3A_417 : i32 to index
        %get3A_419 = arith.constant 64 : index
        %get3A_420 = tpu.vector_load %arg9[%get3A_418, %get3A_419] {strides = array<i32>} : memref<384x128xbf16, #tpu.memory_space<vmem>>, vector<1x32xbf16>,
        %get3A_421 = vector.shape_cast %get3A_420 : vector<1x32xbf16> to vector<32xbf16>
        %max3A_422 = arith.maximumf %scan3A_405, %get3A_421 : vector<32xbf16>
        %add3A_423 = arith.addi %add3A_352, %scan3A_402 : i32
        %get3A_424 = arith.index_cast %add3A_423 : i32 to index
        %get3A_425 = arith.constant 96 : index
        %get3A_426 = tpu.vector_load %arg9[%get3A_424, %get3A_425] {strides = array<i32>} : memref<384x128xbf16, #tpu.memory_space<vmem>>, vector<1x32xbf16>,
        %get3A_427 = vector.shape_cast %get3A_426 : vector<1x32xbf16> to vector<32xbf16>
        %max3A_428 = arith.maximumf %scan3A_406, %get3A_427 : vector<32xbf16>
        scf.yield %max3A, %max3A_416, %max3A_422, %max3A_428 : vector<32xbf16>, vector<32xbf16>, vector<32xbf16>, vector<32xbf16>
      }
      %scan3A_366 = arith.constant 32 : i32
      %add3A_367 = arith.constant 3 : i32
      %add3A_368 = arith.addi %add3A_221, %add3A_367 : i32
      %swap3A_369 = arith.index_cast %add3A_368 : i32 to index
      %swap3A_370 = arith.constant 0 : index
      %swap3A_371 = tpu.vector_load %arg10[%swap3A_369, %swap3A_370] {strides = array<i32>} : memref<16x128xbf16, #tpu.memory_space<vmem>>, vector<1x32xbf16>,
      %swap3A_372 = vector.shape_cast %swap3A_371 : vector<1x32xbf16> to vector<32xbf16>
      %swap3A_373 = vector.shape_cast %scan3A_365#0 : vector<32xbf16> to vector<1x32xbf16>
      tpu.vector_store %arg10[%swap3A_369, %swap3A_370], %swap3A_373 {strides = array<i32>} : memref<16x128xbf16, #tpu.memory_space<vmem>>, vector<1x32xbf16>,
      %add3A_374 = arith.constant 3 : i32
      %add3A_375 = arith.addi %add3A_221, %add3A_374 : i32
      %swap3A_376 = arith.index_cast %add3A_375 : i32 to index
      %swap3A_377 = arith.constant 32 : index
      %swap3A_378 = tpu.vector_load %arg10[%swap3A_376, %swap3A_377] {strides = array<i32>} : memref<16x128xbf16, #tpu.memory_space<vmem>>, vector<1x32xbf16>,
      %swap3A_379 = vector.shape_cast %swap3A_378 : vector<1x32xbf16> to vector<32xbf16>
      %swap3A_380 = vector.shape_cast %scan3A_365#1 : vector<32xbf16> to vector<1x32xbf16>
      tpu.vector_store %arg10[%swap3A_376, %swap3A_377], %swap3A_380 {strides = array<i32>} : memref<16x128xbf16, #tpu.memory_space<vmem>>, vector<1x32xbf16>,
      %add3A_381 = arith.constant 3 : i32
      %add3A_382 = arith.addi %add3A_221, %add3A_381 : i32
      %swap3A_383 = arith.index_cast %add3A_382 : i32 to index
      %swap3A_384 = arith.constant 64 : index
      %swap3A_385 = tpu.vector_load %arg10[%swap3A_383, %swap3A_384] {strides = array<i32>} : memref<16x128xbf16, #tpu.memory_space<vmem>>, vector<1x32xbf16>,
      %swap3A_386 = vector.shape_cast %swap3A_385 : vector<1x32xbf16> to vector<32xbf16>
      %swap3A_387 = vector.shape_cast %scan3A_365#2 : vector<32xbf16> to vector<1x32xbf16>
      tpu.vector_store %arg10[%swap3A_383, %swap3A_384], %swap3A_387 {strides = array<i32>} : memref<16x128xbf16, #tpu.memory_space<vmem>>, vector<1x32xbf16>,
      %add3A_388 = arith.constant 3 : i32
      %add3A_389 = arith.addi %add3A_221, %add3A_388 : i32
      %swap3A_390 = arith.index_cast %add3A_389 : i32 to index
      %swap3A_391 = arith.constant 96 : index
      %swap3A_392 = tpu.vector_load %arg10[%swap3A_390, %swap3A_391] {strides = array<i32>} : memref<16x128xbf16, #tpu.memory_space<vmem>>, vector<1x32xbf16>,
      %swap3A_393 = vector.shape_cast %swap3A_392 : vector<1x32xbf16> to vector<32xbf16>
      %swap3A_394 = vector.shape_cast %scan3A_365#3 : vector<32xbf16> to vector<1x32xbf16>
      tpu.vector_store %arg10[%swap3A_390, %swap3A_391], %swap3A_394 {strides = array<i32>} : memref<16x128xbf16, #tpu.memory_space<vmem>>, vector<1x32xbf16>,
      %rem3A_395 = arith.constant 2 : i32
      %rem3A_396 = arith.remsi %while3A_152, %rem3A_395 : i32
      %eq3A_397 = arith.constant 1 : i32
      %eq3A_398 = arith.cmpi eq, %rem3A_396, %eq3A_397 : i32
      %convert_element_type3A_399 = arith.extui %eq3A_398 : i1 to i32
      %cond3A_400 = arith.constant 0 : i32
      %cond3A_401 = arith.cmpi ne, %convert_element_type3A_399, %cond3A_400 : i32
      scf.if %cond3A_401 {
        %mul3A_402 = arith.constant 2 : i32
        %mul3A_403 = arith.muli %mul3A_402, %select_n3A_197 : i32
        %add3A_404 = arith.addi %add3A, %mul3A_403 : i32
        %mul3A_405 = arith.constant 4 : i32
        %mul3A_406 = arith.muli %add3A_404, %mul3A_405 : i32
        %rem3A_407 = arith.constant 2 : i32
        %rem3A_408 = arith.remsi %select_n3A_197, %rem3A_407 : i32
        %mul3A_409 = arith.constant 2 : i32
        %mul3A_410 = arith.muli %rem3A_408, %mul3A_409 : i32
        %mul3A_411 = arith.constant 4 : i32
        %mul3A_412 = arith.muli %mul3A_410, %mul3A_411 : i32
        %dma_start3A_413 = arith.constant 0 : i32
        %dma_start3A_414 = tpu.memref_slice %arg10[%mul3A_412, %dma_start3A_413] : memref<16x128xbf16, #tpu.memory_space<vmem>> -> memref<8x128xbf16, #tpu.memory_space<vmem>>
        %dma_start3A_415 = arith.constant 0 : i32
        %dma_start3A_416 = tpu.memref_slice %arg6[%mul3A_406, %dma_start3A_415] : memref<10240x128xbf16, #tpu.memory_space<hbm>> -> memref<8x128xbf16, #tpu.memory_space<hbm>>
        %dma_start3A_417 = arith.constant 0 : i32
        %dma_start3A_418 = tpu.memref_slice %arg6[%mul3A_406, %dma_start3A_417] : memref<10240x128xbf16, #tpu.memory_space<hbm>> -> memref<8x128xbf16, #tpu.memory_space<hbm>>
        %dma_start3A_419 = arith.constant 0 : i32
        %dma_start3A_420 = tpu.memref_slice %arg10[%mul3A_412, %dma_start3A_419] : memref<16x128xbf16, #tpu.memory_space<vmem>> -> memref<8x128xbf16, #tpu.memory_space<vmem>>
        tpu.enqueue_dma source(%dma_start3A_420 : memref<8x128xbf16, #tpu.memory_space<vmem>>) target(%dma_start3A_418 : memref<8x128xbf16, #tpu.memory_space<hbm>>) target_semaphore(%arg13 : memref<!tpu.dma_semaphore, #tpu.memory_space<semaphore_mem>>)
      } else {
      }
    }
    %jit3A_67 = arith.constant 2 : i32
    %div3A = arith.divsi %select_n3A, %jit3A_67 : i32
    %sign3A = arith.constant 0 : i32
    %sign3A_68 = arith.cmpi sgt, %select_n3A, %sign3A : i32
    %sign3A_69 = arith.extui %sign3A_68 : i1 to i32
    %sign3A_70 = arith.constant 0 : i32
    %sign3A_71 = arith.cmpi slt, %select_n3A, %sign3A_70 : i32
    %sign3A_72 = arith.extui %sign3A_71 : i1 to i32
    %sign3A_73 = arith.subi %sign3A_69, %sign3A_72 : i32
    %sign3A_74 = arith.constant 0 : i32
    %sign3A_75 = arith.cmpi sgt, %jit3A_67, %sign3A_74 : i32
    %sign3A_76 = arith.extui %sign3A_75 : i1 to i32
    %sign3A_77 = arith.constant 0 : i32
    %sign3A_78 = arith.cmpi slt, %jit3A_67, %sign3A_77 : i32
    %sign3A_79 = arith.extui %sign3A_78 : i1 to i32
    %sign3A_80 = arith.subi %sign3A_76, %sign3A_79 : i32
    %ne3A = arith.cmpi ne, %sign3A_73, %sign3A_80 : i32
    %rem3A_81 = arith.remsi %select_n3A, %jit3A_67 : i32
    %ne3A_82 = arith.constant 0 : i32
    %ne3A_83 = arith.cmpi ne, %rem3A_81, %ne3A_82 : i32
    %and3A = arith.andi %ne3A, %ne3A_83 : i1
    %sub3A = arith.constant 1 : i32
    %sub3A_84 = arith.subi %div3A, %sub3A : i32
    %select_n3A_85 = arith.select %and3A, %sub3A_84, %div3A : i32
    %sub3A_86 = arith.constant 2 : i32
    %sub3A_87 = arith.subi %select_n3A_85, %sub3A_86 : i32
    %mul3A_88 = arith.constant 2 : i32
    %mul3A_89 = arith.muli %mul3A_88, %sub3A_87 : i32
    %add3A_90 = arith.addi %add3A, %mul3A_89 : i32
    %mul3A_91 = arith.constant 4 : i32
    %mul3A_92 = arith.muli %add3A_90, %mul3A_91 : i32
    %rem3A_93 = arith.constant 2 : i32
    %rem3A_94 = arith.remsi %sub3A_87, %rem3A_93 : i32
    %mul3A_95 = arith.constant 2 : i32
    %mul3A_96 = arith.muli %rem3A_94, %mul3A_95 : i32
    %mul3A_97 = arith.constant 4 : i32
    %mul3A_98 = arith.muli %mul3A_96, %mul3A_97 : i32
    %dma_wait3A_99 = arith.constant 0 : i32
    %dma_wait3A_100 = tpu.memref_slice %arg10[%mul3A_98, %dma_wait3A_99] : memref<16x128xbf16, #tpu.memory_space<vmem>> -> memref<8x128xbf16, #tpu.memory_space<vmem>>
    %dma_wait3A_101 = arith.constant 0 : i32
    %dma_wait3A_102 = tpu.memref_slice %arg6[%mul3A_92, %dma_wait3A_101] : memref<10240x128xbf16, #tpu.memory_space<hbm>> -> memref<8x128xbf16, #tpu.memory_space<hbm>>
    %dma_wait3A_103 = arith.constant 0 : i32
    %dma_wait3A_104 = tpu.memref_slice %arg6[%mul3A_92, %dma_wait3A_103] : memref<10240x128xbf16, #tpu.memory_space<hbm>> -> memref<8x128xbf16, #tpu.memory_space<hbm>>
    %dma_wait3A_105 = arith.constant 0 : i32
    %dma_wait3A_106 = tpu.memref_slice %arg10[%mul3A_98, %dma_wait3A_105] : memref<16x128xbf16, #tpu.memory_space<vmem>> -> memref<8x128xbf16, #tpu.memory_space<vmem>>
    tpu.wait_dma2 semaphore(%arg13 : memref<!tpu.dma_semaphore, #tpu.memory_space<semaphore_mem>>) src(%dma_wait3A_106 : memref<8x128xbf16, #tpu.memory_space<vmem>>) dst(%dma_wait3A_104 : memref<8x128xbf16, #tpu.memory_space<hbm>>)
    %jit3A_107 = arith.constant 2 : i32
    %div3A_108 = arith.divsi %select_n3A, %jit3A_107 : i32
    %sign3A_109 = arith.constant 0 : i32
    %sign3A_110 = arith.cmpi sgt, %select_n3A, %sign3A_109 : i32
    %sign3A_111 = arith.extui %sign3A_110 : i1 to i32
    %sign3A_112 = arith.constant 0 : i32
    %sign3A_113 = arith.cmpi slt, %select_n3A, %sign3A_112 : i32
    %sign3A_114 = arith.extui %sign3A_113 : i1 to i32
    %sign3A_115 = arith.subi %sign3A_111, %sign3A_114 : i32
    %sign3A_116 = arith.constant 0 : i32
    %sign3A_117 = arith.cmpi sgt, %jit3A_107, %sign3A_116 : i32
    %sign3A_118 = arith.extui %sign3A_117 : i1 to i32
    %sign3A_119 = arith.constant 0 : i32
    %sign3A_120 = arith.cmpi slt, %jit3A_107, %sign3A_119 : i32
    %sign3A_121 = arith.extui %sign3A_120 : i1 to i32
    %sign3A_122 = arith.subi %sign3A_118, %sign3A_121 : i32
    %ne3A_123 = arith.cmpi ne, %sign3A_115, %sign3A_122 : i32
    %rem3A_124 = arith.remsi %select_n3A, %jit3A_107 : i32
    %ne3A_125 = arith.constant 0 : i32
    %ne3A_126 = arith.cmpi ne, %rem3A_124, %ne3A_125 : i32
    %and3A_127 = arith.andi %ne3A_123, %ne3A_126 : i1
    %sub3A_128 = arith.constant 1 : i32
    %sub3A_129 = arith.subi %div3A_108, %sub3A_128 : i32
    %select_n3A_130 = arith.select %and3A_127, %sub3A_129, %div3A_108 : i32
    %sub3A_131 = arith.constant 1 : i32
    %sub3A_132 = arith.subi %select_n3A_130, %sub3A_131 : i32
    %mul3A_133 = arith.constant 2 : i32
    %mul3A_134 = arith.muli %mul3A_133, %sub3A_132 : i32
    %add3A_135 = arith.addi %add3A, %mul3A_134 : i32
    %mul3A_136 = arith.constant 4 : i32
    %mul3A_137 = arith.muli %add3A_135, %mul3A_136 : i32
    %rem3A_138 = arith.constant 2 : i32
    %rem3A_139 = arith.remsi %sub3A_132, %rem3A_138 : i32
    %mul3A_140 = arith.constant 2 : i32
    %mul3A_141 = arith.muli %rem3A_139, %mul3A_140 : i32
    %mul3A_142 = arith.constant 4 : i32
    %mul3A_143 = arith.muli %mul3A_141, %mul3A_142 : i32
    %dma_wait3A_144 = arith.constant 0 : i32
    %dma_wait3A_145 = tpu.memref_slice %arg10[%mul3A_143, %dma_wait3A_144] : memref<16x128xbf16, #tpu.memory_space<vmem>> -> memref<8x128xbf16, #tpu.memory_space<vmem>>
    %dma_wait3A_146 = arith.constant 0 : i32
    %dma_wait3A_147 = tpu.memref_slice %arg6[%mul3A_137, %dma_wait3A_146] : memref<10240x128xbf16, #tpu.memory_space<hbm>> -> memref<8x128xbf16, #tpu.memory_space<hbm>>
    %dma_wait3A_148 = arith.constant 0 : i32
    %dma_wait3A_149 = tpu.memref_slice %arg6[%mul3A_137, %dma_wait3A_148] : memref<10240x128xbf16, #tpu.memory_space<hbm>> -> memref<8x128xbf16, #tpu.memory_space<hbm>>
    %dma_wait3A_150 = arith.constant 0 : i32
    %dma_wait3A_151 = tpu.memref_slice %arg10[%mul3A_143, %dma_wait3A_150] : memref<16x128xbf16, #tpu.memory_space<vmem>> -> memref<8x128xbf16, #tpu.memory_space<vmem>>
    tpu.wait_dma2 semaphore(%arg13 : memref<!tpu.dma_semaphore, #tpu.memory_space<semaphore_mem>>) src(%dma_wait3A_151 : memref<8x128xbf16, #tpu.memory_space<vmem>>) dst(%dma_wait3A_149 : memref<8x128xbf16, #tpu.memory_space<hbm>>)
    return
  }
}

module attributes {stable_mosaic.version = 14 : i64} {
  func.func @_tables_body(%arg0: i32, %arg1: memref<128x2048xf32, #tpu.memory_space<vmem>>, %arg2: memref<128x256xf32, #tpu.memory_space<vmem>>, %arg3: memref<1x128xf32, #tpu.memory_space<vmem>>, %arg4: memref<2048x128xbf16, #tpu.memory_space<vmem>>, %arg5: memref<2048x128xbf16, #tpu.memory_space<vmem>>) attributes {dimension_semantics = [#tpu.dimension_semantics<arbitrary>], iteration_bounds = array<i64: 5>, scalar_prefetch = 0 : i64, scratch_operands = 0 : i64, tpu.core_type = #tpu.core_type<tc>, window_params = [{transform_indices = @transform_0, window_bounds = array<i64: 128, 2048>}, {pipeline_mode = #tpu.pipeline_mode<synchronous>, transform_indices = @transform_1, window_bounds = array<i64: 128, 256>}, {pipeline_mode = #tpu.pipeline_mode<synchronous>, transform_indices = @transform_2, window_bounds = array<i64: 1, 128>}, {transform_indices = @transform_3, window_bounds = array<i64: 2048, 128>}, {transform_indices = @transform_4, window_bounds = array<i64: 2048, 128>}]} {
    %get3A = arith.constant 0 : index
    %get3A_0 = arith.constant 0 : index
    %get3A_1 = vector.load %arg2[%get3A, %get3A_0] : memref<128x256xf32, #tpu.memory_space<vmem>>, vector<128x128xf32>
    %get3A_2 = arith.constant 0 : index
    %get3A_3 = arith.constant 128 : index
    %get3A_4 = vector.load %arg2[%get3A_2, %get3A_3] : memref<128x256xf32, #tpu.memory_space<vmem>>, vector<128x128xf32>
    %sub3A = arith.subf %get3A_1, %get3A_4 : vector<128x128xf32>
    %get3A_5 = arith.constant 0 : index
    %get3A_6 = arith.constant 0 : index
    %get3A_7 = vector.load %arg1[%get3A_5, %get3A_6] : memref<128x2048xf32, #tpu.memory_space<vmem>>, vector<128x2048xf32>
    %dot_general3A = arith.constant dense<0.000000e+00> : vector<2048x128xf32>
    %dot_general3A_8 = tpu.matmul %get3A_7, %sub3A, %dot_general3A {dimension_numbers = #tpu.dot_dimension_numbers<[0], [1], [1], [0], [0, 1, 1, 0], [], []>, precision = #tpu.contract_precision<fp32>, transpose_lhs_hint = false} : vector<128x2048xf32>, vector<128x128xf32>, vector<2048x128xf32> -> vector<2048x128xf32>
    %dot_general3A_9 = arith.constant dense<0.000000e+00> : vector<2048x128xf32>
    %dot_general3A_10 = tpu.matmul %get3A_7, %get3A_4, %dot_general3A_9 {dimension_numbers = #tpu.dot_dimension_numbers<[0], [1], [1], [0], [0, 1, 1, 0], [], []>, precision = #tpu.contract_precision<fp32>, transpose_lhs_hint = false} : vector<128x2048xf32>, vector<128x128xf32>, vector<2048x128xf32> -> vector<2048x128xf32>
    %get3A_11 = arith.constant 0 : index
    %get3A_12 = arith.constant 0 : index
    %get3A_13 = vector.load %arg3[%get3A_11, %get3A_12] : memref<1x128xf32, #tpu.memory_space<vmem>>, vector<1x128xf32>
    %add3A = vector.broadcast %get3A_13 : vector<1x128xf32> to vector<2048x128xf32>
    %add3A_14 = arith.addf %dot_general3A_8, %add3A : vector<2048x128xf32>
    %convert_element_type3A = arith.truncf %add3A_14 : vector<2048x128xf32> to vector<2048x128xbf16>
    %swap3A = arith.constant 0 : index
    %swap3A_15 = arith.constant 0 : index
    %swap3A_16 = vector.load %arg4[%swap3A, %swap3A_15] : memref<2048x128xbf16, #tpu.memory_space<vmem>>, vector<2048x128xbf16>
    tpu.vector_store %arg4[%swap3A, %swap3A_15], %convert_element_type3A {strides = array<i32>} : memref<2048x128xbf16, #tpu.memory_space<vmem>>, vector<2048x128xbf16>,
    %convert_element_type3A_17 = arith.truncf %dot_general3A_10 : vector<2048x128xf32> to vector<2048x128xbf16>
    %swap3A_18 = arith.constant 0 : index
    %swap3A_19 = arith.constant 0 : index
    %swap3A_20 = vector.load %arg5[%swap3A_18, %swap3A_19] : memref<2048x128xbf16, #tpu.memory_space<vmem>>, vector<2048x128xbf16>
    tpu.vector_store %arg5[%swap3A_18, %swap3A_19], %convert_element_type3A_17 {strides = array<i32>} : memref<2048x128xbf16, #tpu.memory_space<vmem>>, vector<2048x128xbf16>,
    return
  }
  func.func @transform_0(%arg0: i32) -> (i32, i32) {
    %c0_i32 = arith.constant 0 : i32
    %c0_i32_0 = arith.constant 0 : i32
    return %c0_i32, %arg0 : i32, i32
  }
  func.func @transform_1(%arg0: i32) -> (i32, i32) {
    %c0_i32 = arith.constant 0 : i32
    %c0_i32_0 = arith.constant 0 : i32
    %c0_i32_1 = arith.constant 0 : i32
    return %c0_i32, %c0_i32_0 : i32, i32
  }
  func.func @transform_2(%arg0: i32) -> (i32, i32) {
    %c0_i32 = arith.constant 0 : i32
    %c0_i32_0 = arith.constant 0 : i32
    %c0_i32_1 = arith.constant 0 : i32
    return %c0_i32, %c0_i32_0 : i32, i32
  }
  func.func @transform_3(%arg0: i32) -> (i32, i32) {
    %c0_i32 = arith.constant 0 : i32
    %c0_i32_0 = arith.constant 0 : i32
    return %arg0, %c0_i32 : i32, i32
  }
  func.func @transform_4(%arg0: i32) -> (i32, i32) {
    %c0_i32 = arith.constant 0 : i32
    %c0_i32_0 = arith.constant 0 : i32
    return %arg0, %c0_i32 : i32, i32
  }
}

</mosaic_0001>

<sc_bundles>
// kernel: kernel.4.cloned.1.call-start
scs
__scs_entry_jumppad:
0x0: {  	(pc) =	sbr.rel $0x88, $3  }
0x1: {  	(tag) =	ssettag $0x0;
	lr =	simm.s32 $0x1  }
0x2: {  	[smem:$0x3F9D] =	sst lr;
	_ =	strace $0xD0000000  }
0x3: {  	_ = 	snop  }
0x4: {  	_ = 	snop  }
0x5: {  	_ = 	snop  }
0x6: {  	_ = 	snop  }
0x7: {  	_ = 	snop  }
__scs_overlays_trampoline_lowered:
0x8: {  	[smem:$0x3FAC] =	sst s0  }
0x9: {  	[smem:$0x3FAD] =	sst s1  }
0xa: {  	[smem:$0x3FAE] =	sst s2  }
0xb: {  	[smem:$0x3FAF] =	sst s3  }
0xc: {  	[smem:$0x3FB0] =	sst s4  }
0xd: {  	[smem:$0x3FB1] =	sst s5  }
0xe: {  	[smem:$0x3FB2] =	sst s6  }
0xf: {  	[smem:$0x3FB3] =	sst s7  }
0x10: {  	[smem:$0x3FB4] =	sst s8  }
0x11: {  	[smem:$0x3FB5] =	sst s9;
	s0 =	simm.s32 @!p0 $0x0  }
0x12: {  	s1 =	sld [smem:$0x3F9B];
	s0 =	simm.s32 @p0 $0x1  }
0x13: {  	[smem:$0x3FB6] =	sst s0;
	s0 =	simm.s32 @!p1 $0x0  }
0x14: {  	s2 =	sld [smem:$0x3F9A];
	s0 =	simm.s32 @p1 $0x1  }
0x15: {  	[smem:$0x3FB7] =	sst s0;
	s0 =	simm.s32 @!p2 $0x0  }
0x16: {  	s3 =	sld [smem:$0x3FDB];
	s0 =	simm.s32 @p2 $0x1  }
0x17: {  	s4 =	simm.s32 $0x1BF5;
	[smem:$0x3FB9] =	sst s0  }
0x18: {  	s0 =	sld [smem:$0x3F9C];
	_ =	swait.ge [sflag:s4], $0x0  }
0x19: {  	s7 =	sld [smem:$0x3F9D]  }
0x1a: {  	s8 =	sadd.s32 $0xFFFFE003, lr  }
0x1b: {  	s9 =	sadd.s32 $0xFFFFFEF7, lr;
	s5 =	simm.s32 $0xFFFFFFFF;
	p2 =	slt.u32 s8, $0xFFFFF086  }
0x1c: {  	p1 =	slt.u32 s9, $0xF7A;
	s5 =	simm.s32 @!p2 $0x0  }
0x1d: {  	s5 =	simm.s32 @p1 $0x1;
	p0 =	seq.s32 s7, s2  }
0x1e: {  	s7 =	smul.u32 @!p0 $0xF7A, s2;
	p2 =	seq.s32 @!p0 s5, $0x0  }
0x1f: {  	s9 =	smul.u32 $0xF7A, s1;
	s8 =	simm.s32 @!p0 $0x1BF5;
	p2 =	por !p2, p0  }
0x20: {  	[sflag:s8] =	ssyncset.s32 @!p0 $0xFFFFF086;
	s6 =	sadd.s32 @!p0 s3, s7;
	s7 =	simm.s32 @!p0 $0x108  }
0x21: {  	s3 =	sadd.s32 s3, s9;
	s6 =	sadd.s32 @!p0 $0x88, s6;
	s7 =	simm.s32 @p2 $0x1082  }
0x22: {  	[simem:s7], [sflag:s8] =	dma.local @!p0 [hbm:s6], $0xF7A  }
0x23: {  	s9 =	sor.u32 $0xD0000000, s2;
	s6 =	simm.s32 $0x108;
	_ =	swait.ge @!p0 [sflag:s8], $0x0  }
0x24: {  	s3 =	sadd.s32 $0x88, s3;
	s6 =	simm.s32 @!p1 $0x1082;
	[sflag:s4] =	ssyncset.s32 $0xFFFFF086  }
0x25: {  	[simem:s6], [sflag:s4] =	dma.local [hbm:s3], $0xF7A  }
0x26: {  	[smem:$0x3F9D] =	sst s1;
	(tag) =	ssettag s2;
	_ =	strace s9  }
0x27: {  	s1 =	sld [smem:$0x3FAD]  }
0x28: {  	s2 =	sld [smem:$0x3FAE]  }
0x29: {  	s4 =	sld [smem:$0x3FB0]  }
0x2a: {  	p0 =	seq.s32 s5, $0x0;
	s5 =	sld [smem:$0x3FB1]  }
0x2b: {  	s6 =	sld [smem:$0x3FB2]  }
0x2c: {  	s7 =	sld [smem:$0x3FB3]  }
0x2d: {  	s3 =	simm.s32 $0x108;
	s8 =	sld [smem:$0x3FB4]  }
0x2e: {  	s3 =	simm.s32 @!p0 $0x1082;
	s9 =	sld [smem:$0x3FB5]  }
0x2f: {  	lr =	sadd.s32 s0, s3;
	s0 =	sld [smem:$0x3FAC]  }
0x30: {  	s3 =	sld [smem:$0x3FAF]  }
0x31: {  	[smem:$0x3FB8] =	sst s10  }
0x32: {  	s10 =	sld [smem:$0x3FB6];
	_ =	sdelay $0x3  }
0x33: {  	p0 =	seq.s32 s10, $0x1;
	s10 =	sld [smem:$0x3FB8];
	_ =	sdelay $0x3  }
0x34: {  	[smem:$0x3FB8] =	sst s10  }
0x35: {  	s10 =	sld [smem:$0x3FB7];
	_ =	sdelay $0x3  }
0x36: {  	p1 =	seq.s32 s10, $0x1;
	s10 =	sld [smem:$0x3FB8];
	_ =	sdelay $0x3  }
0x37: {  	[smem:$0x3FB8] =	sst s10  }
0x38: {  	s10 =	sld [smem:$0x3FB9]  }
0x39: {  	_ = 	snop;
	(pc) =	sbr.ind lr, $3  }
0x3a: {  	_ = 	snop  }
0x3b: {  	_ = 	snop  }
0x3c: {  	p2 =	seq.s32 s10, $0x1;
	s10 =	sld [smem:$0x3FB8]  }
0x3d: {  	_ =	shalt  }
0x3e: {  	_ =	shalt  }
0x3f: {  	_ =	shalt  }
0x40: {  	_ =	shalt  }
0x41: {  	_ =	shalt  }
0x42: {  	_ =	shalt  }
0x43: {  	_ =	shalt  }
0x44: {  	_ =	shalt  }
0x45: {  	_ =	shalt  }
0x46: {  	_ =	shalt  }
0x47: {  	_ =	shalt  }
0x48: {  	_ =	shalt  }
0x49: {  	_ =	shalt  }
0x4a: {  	_ =	shalt  }
0x4b: {  	_ =	shalt  }
0x4c: {  	_ =	shalt  }
0x4d: {  	_ =	shalt  }
0x4e: {  	_ =	shalt  }
0x4f: {  	_ =	shalt  }
0x50: {  	_ =	shalt  }
0x51: {  	_ =	shalt  }
0x52: {  	_ =	shalt  }
0x53: {  	_ =	shalt  }
0x54: {  	_ =	shalt  }
0x55: {  	_ =	shalt  }
0x56: {  	_ =	shalt  }
0x57: {  	_ =	shalt  }
0x58: {  	_ =	shalt  }
0x59: {  	_ =	shalt  }
0x5a: {  	_ =	shalt  }
0x5b: {  	_ =	shalt  }
0x5c: {  	_ =	shalt  }
0x5d: {  	_ =	shalt  }
0x5e: {  	_ =	shalt  }
0x5f: {  	_ =	shalt  }
0x60: {  	_ =	shalt  }
0x61: {  	_ =	shalt  }
0x62: {  	_ =	shalt  }
0x63: {  	_ =	shalt  }
0x64: {  	_ =	shalt  }
0x65: {  	_ =	shalt  }
0x66: {  	_ =	shalt  }
0x67: {  	_ =	shalt  }
0x68: {  	_ =	shalt  }
0x69: {  	_ =	shalt  }
0x6a: {  	_ =	shalt  }
0x6b: {  	_ =	shalt  }
0x6c: {  	_ =	shalt  }
0x6d: {  	_ =	shalt  }
0x6e: {  	_ =	shalt  }
0x6f: {  	_ =	shalt  }
0x70: {  	_ =	shalt  }
0x71: {  	_ =	shalt  }
0x72: {  	_ =	shalt  }
0x73: {  	_ =	shalt  }
0x74: {  	_ =	shalt  }
0x75: {  	_ =	shalt  }
0x76: {  	_ =	shalt  }
0x77: {  	_ =	shalt  }
0x78: {  	_ =	shalt  }
0x79: {  	_ =	shalt  }
0x7a: {  	_ =	shalt  }
0x7b: {  	_ =	shalt  }
0x7c: {  	_ =	shalt  }
0x7d: {  	_ =	shalt  }
0x7e: {  	_ =	shalt  }
0x7f: {  	_ =	shalt  }
0x80: {  	_ =	shalt  }
0x81: {  	_ =	shalt  }
0x82: {  	_ =	shalt  }
0x83: {  	_ =	shalt  }
0x84: {  	_ =	shalt  }
0x85: {  	_ =	shalt  }
0x86: {  	_ =	shalt  }
0x87: {  	_ =	shalt  }
.Lfunc_end0:
.L_simem_size_0:
called_computation_lowered:
.L_overlay_start_0:
0x88: {  	s2 =	sld [smem:$0x3FD9]  }
0x89: {  	s3 =	sld [smem:$0x3FFE];
	_ =	sdelay $0x1  }
0x8a: {  	s1 =	srdreg.scid  }
0x8b: {  	s0 =	sand.u32 $0x1, s1  }
0x8c: {  	s17 =	sshll.u32 s0, $0xA;
	s2 =	sadd.s32 s3, s2  }
0x8d: {  	s2 =	sadd.s32 s2, s17  }
0x8e: {  	[smem:$0x3FC4] =	sst s2  }
0x8f: {  	_ = 	snop  }
0x90: {  	s2 =	sld [smem:$0x3FD0];
	(tm) =	ssettm $0x1  }
0x91: {  	s18 =	sld [smem:$0x3FFB];
	_ =	sdelay $0x3  }
0x92: {  	_ =	strace s18  }
0x93: {  	s3 =	sld [smem:$0x3FFC];
	_ =	sdelay $0x3  }
0x94: {  	_ =	strace s3  }
0x95: {  	s3 =	sld [smem:$0x3FFD];
	_ =	sdelay $0x3  }
0x96: {  	_ =	strace s3  }
0x97: {  	_ =	strace $0x8FFFFFFF  }
0x98: {  	s19 =	sld [smem:$0x3FDB];
	_ =	sdelay $0x1  }
0x99: {  	s4 =	simm.s32 $_scs_section_size  }
0x9a: {  	s5 =	simm.s32 $_size__tile_overlayer_lowered;
	s6 =	simm.s32 $_tile_overlayer_lowered  }
0x9b: {  	s22 =	simm.s32 $0x1BFF;
	s21 =	sshll.u32 s6, $0x1;
	s3 =	sadd.s32 s4, s19  }
0x9c: {  	s7 =	simm.s32 $0x0;
	s20 =	sshll.u32 s5, $0x1;
	s5 =	sadd.s32 s21, s3  }
0x9d: {  	[timem:s7], [sflag:s22] =	dma.local [hbm:s5], s20  }
0x9e: {  	_ =	swait.ge [sflag:s22], s20  }
0x9f: {  	s4 =	ssub.s32 $0x0, s20;
	[sflag:s22] =	ssyncset.done $0x0  }
0xa0: {  	[sflag:s22] =	ssyncadd.s32 s4;
	_ =	sdelay $0x1  }
0xa1: {  	s23 =	simm.s32 $0x1B8B  }
0xa2: {  	_ =	swait.ge [sflag:s23], $0x1  }
0xa3: {  	[sflag:s23] =	ssyncset.done $0x0  }
0xa4: {  	s25 =	simm.s32 $0x1B8E;
	s24 =	sld [smem:$0x3FFE];
	[sflag:s23] =	ssyncadd.s32 $0xFFFFFFFF  }
0xa5: {  	s26 =	simm.s32 $execute0_lowered;
	[smem:$0x3FD2] =	sst s25  }
0xa6: {  	s5 =	sshll.u32 s26, $0x1;
	_ =	strace $0x80000046;
	[dreg:$0x1] =	wrdreg $0xFFFFFFFF  }
0xa7: {  	s28 =	simm.s32 $_size_execute0_lowered;
	s3 =	sadd.s32 s3, s5;
	[dreg:$0x0] =	wrdreg $0x0  }
0xa8: {  	s5 =	sshll.u32 s28, $0x1;
	[dreg:$0x2] =	wrdreg s3  }
0xa9: {  	[dreg:$0x3] =	wrdreg s5  }
0xaa: {  	[dreg:$0x4] =	wrdreg $0xC0  }
0xab: {  	_ =	task [dreg:s7], $0x5FFFF  }
0xac: {  	[dreg:$0x1] =	wrdreg $0xFFFFFFFF  }
0xad: {  	[dreg:$0x0] =	wrdreg $0x60  }
0xae: {  	[dreg:$0x2] =	wrdreg s2  }
0xaf: {  	[dreg:$0x3] =	wrdreg s24  }
0xb0: {  	[dreg:$0x4] =	wrdreg $0x9  }
0xb1: {  	_ =	task.clear_ibuf [dreg:s7], $0x5FFFF;
	_ =	strace $0x90000046  }
0xb2: {  	s29 =	simm.s32 $0x9;
	_ =	strace $0x80000048  }
0xb3: {  	_ =	swait.ge [sflag:s29], $0x1  }
0xb4: {  	[sflag:s29] =	ssyncadd.s32 $0xFFFFFFFF  }
0xb5: {  	_ =	strace $0x90000048  }
0xb6: {  	_ =	sfence  }
0xb7: {  	s30 =	sld [smem:$0x0];
	_ =	sdelay $0x2  }
0xb8: {  	s31 =	sshll.u32 s1, $0xD;
	s1 =	sshrl.u32 s1, $0x2  }
0xb9: {  	s3 =	sand.u32 $0x4000, s31;
	s1 =	sadd.s32 s1, s30  }
0xba: {  	s0 =	sor.u32 s3, s0;
	s1 =	sshll.u32 s1, $0x11  }
0xbb: {  	s0 =	sor.u32 s1, s0  }
0xbc: {  	s0 =	sadd.s32 $0x8F2B, s0  }
0xbd: {  	[sflag:s0] =	ssyncadd.remote.s32 $0x1  }
0xbe: {  	_ =	sfence.sel $0xFFFF  }
0xbf: {  	[dreg:$0x0] =	wrdreg $0xFFFFFFFF;
	(pc) =	sbr.abs _section_cstart, $3  }
0xc0: {  	[dreg:$0x1] =	wrdreg $0xFFFFFFFF  }
0xc1: {  	_ =	task.clear_ibuf [dreg:s7], $0x2FFFF;
	_ =	strace $0x9FFFFFFF  }
0xc2: {  	(tm) =	ssettm $0x7FFFFFFF  }
0xc3: {  	_ =	shalt  }
tec
execute0_lowered:
.L_overlay_start_1:
0x0: {  	(tag) =	ssettag $0x1  }
0x1: {  	s1 =	srdreg.scid;
	s2 =	rddreg [dreg:$0x0]  }
0x2: {  	s0 =	stileid.u32;
	s6 =	rddreg [dreg:$0x1]  }
0x3: {  	s3 =	simm.s32 $0x0;
	s11 =	simm.s32 $0x4;
	s12 =	simm.s32 $0x3800  }
0x4: {  	s13 =	simm.s32 $0x80;
	s14 =	simm.s32 $0x1;
	s15 =	simm.s32 $0x9000  }
0x5: {  	s16 =	simm.s32 $0x2;
	s17 =	simm.s32 $0x3;
	s18 =	simm.s32 $0x0  }
0x6: {  	s5 =	sand.u32 $0x1, s1;
	s4 =	smul.u32 $0xA0, s0;
	[smem:$0x7FF] =	sst s3  }
0x7: {  	s1 =	rddreg [dreg:$0x2];
	s7 =	smul.u32 $0x70, s5;
	_ =	strace $0x80000047  }
0x8: {  	s31 =	ssub.s32 $0x2, s5;
	p0 =	seq.s32 s5, $0x0;
	s5 =	simm.s32 $0x70  }
0x9: {  	s10 =	sshrl.u32 s31, $0x1;
	s5 =	simm.s32 @!p0 $0x30;
	s9 =	sadd.s32 s7, s4  }
0xa: {  	s4 =	sadd.s32 $0x16400, s6;
	s10 =	ssub.s32 s31, s10;
	s7 =	sshll.u32 s9, $0x4  }
0xb: {  	s9 =	sshll.u32 s9, $0x9;
	s10 =	smax.u32 s10, $0x1;
	s8 =	sadd.s32 s7, s6  }
0xc: {  	s6 =	sadd.s32 $0x2A400, s6;
	s7 =	sadd.s32 $0xBC00, s8;
	s8 =	sadd.s32 $0x1400, s8  }
.LBB2_1:
0xd: {  	[tilespmem:s3], [sflag:$0x4] =	stream.linear.gather [hbm4b:s7+s3], $0x3800, $0x38;
	[tilespmem:$0xD400] =	vst v63  }
0xe: {  	_ =	swait.ge [sflag:s11], $0x3800  }
0xf: {  	[sflag:s11] =	ssyncset.done $0x0  }
0x10: {  	[sflag:s11] =	ssyncadd.s32 $0xFFFFC800  }
0x11: {  	[tilespmem:s12], [sflag:$0x4] =	stream.linear.gather [hbm4b:s8+s3], $0x3800, $0x38;
	[tilespmem:$0xD400] =	vst v63  }
0x12: {  	_ =	swait.ge [sflag:s11], $0x3800  }
0x13: {  	[sflag:s11] =	ssyncset.done $0x0  }
0x14: {  	s19 =	simm.s32 $0x7000;
	[sflag:s11] =	ssyncadd.s32 $0xFFFFC800  }
0x15: {  	[tilespmem:s19], [sflag:$0x1] =	stream.indirect.gather [hbm4b:s2+s13], $0x40, s3, s13, $0xb8;
	[tilespmem:$0xD400] =	vst v63  }
0x16: {  	_ =	swait.ge [sflag:s14], $0x2000  }
0x17: {  	[sflag:s14] =	ssyncset.done $0x0  }
0x18: {  	[sflag:s14] =	ssyncadd.s32 $0xFFFFE000  }
0x19: {  	[tilespmem:s19], [sflag:$0x2] =	stream.indirect.gather.add.bf16 [hbm:s4], $0x40, s12, s13, $0xb8;
	[tilespmem:$0xD400] =	vst v63  }
0x1a: {  	s20 =	simm.s32 $0x0  }
0x1b: {  	[tilespmem:s15], [sflag:$0x1] =	stream.indirect.gather [hbm4b:s2+s13], $0x40, s13, s13, $0xb8;
	[tilespmem:$0xD400] =	vst v63  }
.LBB2_2:
0x1c: {  	s22 =	smov.u32 s20;
	s20 =	sadd.s32 $0x1, s20  }
0x1d: {  	p1 =	sge.u32 s20, s5;
	s23 =	smulhi.u32 $0xAAAAAAAB, s22;
	s24 =	sadd.s32 $0x2, s22  }
0x1e: {  	s21 =	smulhi.u32 @!p1 $0xAAAAAAAB, s20;
	p0 =	sge.u32 s24, s5  }
0x1f: {  	s25 =	simm.s32 @!p1 $0x1;
	s28 =	sshll.u32 @!p1 s20, $0x7;
	s26 =	smulhi.u32 @!p0 $0xAAAAAAAB, s24  }
0x20: {  	_ =	swait.ge @!p1 [sflag:s25], $0x2000;
	s29 =	sshrl.u32 s23, $0x1;
	s21 =	sshrl.u32 @!p1 s21, $0x1  }
0x21: {  	[sflag:s25] =	ssyncset.done @!p1 $0x0;
	s21 =	smul.u32 @!p1 $0x3, s21;
	s26 =	sshrl.u32 @!p0 s26, $0x1  }
0x22: {  	[sflag:s25] =	ssyncadd.s32 @!p1 $0xFFFFE000;
	s25 =	sand.u32 @!p1 $0x3FFFFF80, s28;
	s26 =	smul.u32 @!p0 $0x3, s26  }
0x23: {  	s28 =	simm.s32 @!p1 $0x80;
	s25 =	sadd.s32 @!p1 $0x3800, s25;
	s21 =	ssub.s32 @!p1 s20, s21  }
0x24: {  	s21 =	sshll.u32 @!p1 s21, $0xD;
	s23 =	ssub.s32 @!p0 s24, s26;
	s24 =	sshll.u32 @!p0 s24, $0x7  }
0x25: {  	s21 =	sadd.s32 @!p1 $0x7000, s21;
	s23 =	sshll.u32 @!p0 s23, $0xD;
	s24 =	sand.u32 @!p0 $0x3FFFFF80, s24  }
0x26: {  	[tilespmem:s21], [sflag:$0x2] =	stream.indirect.gather.add.bf16 @!p1 [hbm:s4], $0x40, s25, s28, $0xb8;
	[tilespmem:$0xD400] =	vst v63  }
0x27: {  	s21 =	smul.u32 $0xFFFE8000, s29;
	s23 =	sadd.s32 @!p0 $0x7000, s23;
	s25 =	simm.s32 @!p0 $0x80  }
0x28: {  	[tilespmem:s23], [sflag:$0x1] =	stream.indirect.gather @!p0 [hbm4b:s2+s25], $0x40, s24, s25, $0xb8;
	[tilespmem:$0xD400] =	vst v63  }
0x29: {  	s30 =	sshra.s32 s21, $0x2;
	s21 =	sand.u32 $0x1, s22;
	p0 =	slt.u32 s22, $0x4  }
0x2a: {  	s23 =	sadd.s32 s30, s19;
	_ =	swait.ge [sflag:s16], $0x2000;
	p1 =	sne.s32 @!p0 s21, $0x0  }
0x2b: {  	[sflag:s16] =	ssyncset.done $0x0;
	p0 =	por p1, p0;
	v0 =	vmov s23  }
0x2c: {  	[sflag:s16] =	ssyncadd.s32 $0xFFFFE000;
	s23 =	simm.s32 @!p0 $0x3  }
0x2d: {  	_ =	swait.ge @!p0 [sflag:s23], $0x200  }
0x2e: {  	[sflag:s23] =	ssyncset.done @!p0 $0x0  }
0x2f: {  	s31 =	simm.s32 $0x0;
	[sflag:s23] =	ssyncadd.s32 @!p0 $0xFFFFFE00  }
0x30: {  	v1 =	vld.idx.msk [tilespmem:v0+s31+$0x30 ss:$0x1], $0xffff  }
0x31: {  	v3 =	vld.idx.msk [tilespmem:v0+s31+$0x0 ss:$0x1], $0xffff  }
0x32: {  	v2 =	vimm.bf16 $0.0e+00;
	v4 =	vld.idx.msk [tilespmem:v0+s31+$0x10 ss:$0x1], $0xffff  }
0x33: {  	v8 =	vimm.bf16 $0.0e+00;
	v7 =	vimm.bf16 $0.0e+00;
	v6 =	vimm.bf16 $0.0e+00;
	s22 =	sshrl.u32 s22, $0x1;
	s23 =	simm.s32 $0x100;
	v5 =	vld.idx.msk [tilespmem:v0+s31+$0x20 ss:$0x1], $0xffff  }
.LBB2_3:
0x34: {  	p0 =	sne.s32 s23, $0x1F00  }
.Ltmp0:
0x35: {  	s24 =	sshra.s32 s23, $0x2;
	s23 =	sadd.s32 $0x100, s23;
	(pc) =	sbr.rel @p0 .LBB2_3-.Ltmp0, $4  }
0x36: {  	v2 =	vmax.bf16 v2, v1;
	v1 =	vld.idx.msk [tilespmem:v0+s24+$0x30 ss:$0x1], $0xffff  }
0x37: {  	v8 =	vmax.bf16 v8, v3;
	v3 =	vld.idx.msk [tilespmem:v0+s24+$0x0 ss:$0x1], $0xffff  }
0x38: {  	v7 =	vmax.bf16 v7, v4;
	v4 =	vld.idx.msk [tilespmem:v0+s24+$0x10 ss:$0x1], $0xffff  }
0x39: {  	v6 =	vmax.bf16 v6, v5;
	v5 =	vld.idx.msk [tilespmem:v0+s24+$0x20 ss:$0x1], $0xffff  }
0x3a: {  	s23 =	sshll.u32 s22, $0x9  }
0x3b: {  	s23 =	sand.u32 $0x200, s23  }
0x3c: {  	s24 =	sshll.u32 s21, $0x8;
	s23 =	sor.u32 $0xD000, s23  }
0x3d: {  	v3 =	vmax.bf16 v8, v3;
	s24 =	sor.u32 s24, s23  }
0x3e: {  	v4 =	vmax.bf16 v7, v4;
	[tilespmem:s24+$0x0] =	vst v3  }
0x3f: {  	v1 =	vmax.bf16 v2, v1;
	[tilespmem:s24+$0x10] =	vst v4  }
0x40: {  	v3 =	vmax.bf16 v6, v5;
	[tilespmem:s24+$0x30] =	vst v1  }
0x41: {  	s26 =	simm.s32 $0x0;
	[tilespmem:s24+$0x20] =	vst v3  }
0x42: {  	v1 =	vld.idx.msk [tilespmem:v0+s26+$0x830 ss:$0x1], $0xffff  }
0x43: {  	v3 =	vld.idx.msk [tilespmem:v0+s26+$0x800 ss:$0x1], $0xffff  }
0x44: {  	v2 =	vimm.bf16 $0.0e+00;
	v4 =	vld.idx.msk [tilespmem:v0+s26+$0x810 ss:$0x1], $0xffff  }
0x45: {  	s25 =	simm.s32 $0x100;
	v8 =	vimm.bf16 $0.0e+00;
	v7 =	vimm.bf16 $0.0e+00;
	v6 =	vimm.bf16 $0.0e+00;
	v5 =	vld.idx.msk [tilespmem:v0+s26+$0x820 ss:$0x1], $0xffff  }
.LBB2_5:
0x46: {  	p0 =	sne.s32 s25, $0x1F00  }
.Ltmp1:
0x47: {  	s26 =	sshra.s32 s25, $0x2;
	s25 =	sadd.s32 $0x100, s25;
	(pc) =	sbr.rel @p0 .LBB2_5-.Ltmp1, $4  }
0x48: {  	v2 =	vmax.bf16 v2, v1;
	v1 =	vld.idx.msk [tilespmem:v0+s26+$0x830 ss:$0x1], $0xffff  }
0x49: {  	v7 =	vmax.bf16 v7, v3;
	v3 =	vld.idx.msk [tilespmem:v0+s26+$0x800 ss:$0x1], $0xffff  }
0x4a: {  	v8 =	vmax.bf16 v8, v4;
	v4 =	vld.idx.msk [tilespmem:v0+s26+$0x810 ss:$0x1], $0xffff  }
0x4b: {  	v6 =	vmax.bf16 v6, v5;
	v5 =	vld.idx.msk [tilespmem:v0+s26+$0x820 ss:$0x1], $0xffff  }
0x4c: {  	_ = 	snop  }
0x4d: {  	v1 =	vmax.bf16 v2, v1  }
0x4e: {  	v3 =	vmax.bf16 v7, v3;
	[tilespmem:s24+$0x70] =	vst v1  }
0x4f: {  	v4 =	vmax.bf16 v8, v4;
	[tilespmem:s24+$0x40] =	vst v3  }
0x50: {  	v3 =	vmax.bf16 v6, v5;
	[tilespmem:s24+$0x50] =	vst v4  }
0x51: {  	s26 =	simm.s32 $0x0;
	[tilespmem:s24+$0x60] =	vst v3  }
0x52: {  	v1 =	vld.idx.msk [tilespmem:v0+s26+$0x1030 ss:$0x1], $0xffff  }
0x53: {  	v3 =	vld.idx.msk [tilespmem:v0+s26+$0x1000 ss:$0x1], $0xffff  }
0x54: {  	v2 =	vimm.bf16 $0.0e+00;
	v4 =	vld.idx.msk [tilespmem:v0+s26+$0x1010 ss:$0x1], $0xffff  }
0x55: {  	s25 =	simm.s32 $0x100;
	v7 =	vimm.bf16 $0.0e+00;
	v8 =	vimm.bf16 $0.0e+00;
	v6 =	vimm.bf16 $0.0e+00;
	v5 =	vld.idx.msk [tilespmem:v0+s26+$0x1020 ss:$0x1], $0xffff  }
.LBB2_7:
0x56: {  	p0 =	sne.s32 s25, $0x1F00  }
.Ltmp2:
0x57: {  	s26 =	sshra.s32 s25, $0x2;
	s25 =	sadd.s32 $0x100, s25;
	(pc) =	sbr.rel @p0 .LBB2_7-.Ltmp2, $4  }
0x58: {  	v2 =	vmax.bf16 v2, v1;
	v1 =	vld.idx.msk [tilespmem:v0+s26+$0x1030 ss:$0x1], $0xffff  }
0x59: {  	v7 =	vmax.bf16 v7, v3;
	v3 =	vld.idx.msk [tilespmem:v0+s26+$0x1000 ss:$0x1], $0xffff  }
0x5a: {  	v8 =	vmax.bf16 v8, v4;
	v4 =	vld.idx.msk [tilespmem:v0+s26+$0x1010 ss:$0x1], $0xffff  }
0x5b: {  	v6 =	vmax.bf16 v6, v5;
	v5 =	vld.idx.msk [tilespmem:v0+s26+$0x1020 ss:$0x1], $0xffff  }
0x5c: {  	_ = 	snop  }
0x5d: {  	v1 =	vmax.bf16 v2, v1  }
0x5e: {  	v3 =	vmax.bf16 v7, v3;
	[tilespmem:s24+$0xB0] =	vst v1  }
0x5f: {  	v4 =	vmax.bf16 v8, v4;
	[tilespmem:s24+$0x80] =	vst v3  }
0x60: {  	v3 =	vmax.bf16 v6, v5;
	[tilespmem:s24+$0x90] =	vst v4  }
0x61: {  	s26 =	simm.s32 $0x0;
	[tilespmem:s24+$0xA0] =	vst v3  }
0x62: {  	v1 =	vld.idx.msk [tilespmem:v0+s26+$0x1830 ss:$0x1], $0xffff  }
0x63: {  	v4 =	vld.idx.msk [tilespmem:v0+s26+$0x1800 ss:$0x1], $0xffff  }
0x64: {  	v2 =	vimm.bf16 $0.0e+00;
	v5 =	vld.idx.msk [tilespmem:v0+s26+$0x1810 ss:$0x1], $0xffff  }
0x65: {  	s25 =	simm.s32 $0x100;
	v7 =	vimm.bf16 $0.0e+00;
	v8 =	vimm.bf16 $0.0e+00;
	v6 =	vimm.bf16 $0.0e+00;
	v3 =	vld.idx.msk [tilespmem:v0+s26+$0x1820 ss:$0x1], $0xffff  }
.LBB2_9:
0x66: {  	p0 =	sne.s32 s25, $0x1F00  }
.Ltmp3:
0x67: {  	s26 =	sshra.s32 s25, $0x2;
	s25 =	sadd.s32 $0x100, s25;
	(pc) =	sbr.rel @p0 .LBB2_9-.Ltmp3, $4  }
0x68: {  	v2 =	vmax.bf16 v2, v1;
	v1 =	vld.idx.msk [tilespmem:v0+s26+$0x1830 ss:$0x1], $0xffff  }
0x69: {  	v8 =	vmax.bf16 v8, v4;
	v4 =	vld.idx.msk [tilespmem:v0+s26+$0x1800 ss:$0x1], $0xffff  }
0x6a: {  	v7 =	vmax.bf16 v7, v5;
	v5 =	vld.idx.msk [tilespmem:v0+s26+$0x1810 ss:$0x1], $0xffff  }
0x6b: {  	v6 =	vmax.bf16 v6, v3;
	v3 =	vld.idx.msk [tilespmem:v0+s26+$0x1820 ss:$0x1], $0xffff  }
0x6c: {  	_ = 	snop  }
0x6d: {  	p0 =	seq.s32 s21, $0x0;
	v1 =	vmax.bf16 v2, v1  }
0x6e: {  	s21 =	sshll.u32 @!p0 s22, $0xA;
	v0 =	vmax.bf16 v8, v4;
	[tilespmem:s24+$0xF0] =	vst v1  }
0x6f: {  	s21 =	sadd.s32 @!p0 s9, s21;
	v62 =	vmax.bf16 v7, v5;
	[tilespmem:s24+$0xC0] =	vst v0  }
0x70: {  	s21 =	sshrl.u32 @!p0 s21, $0x4;
	v63 =	vmax.bf16 v6, v3;
	[tilespmem:s24+$0xD0] =	vst v62  }
0x71: {  	s22 =	simm.s32 @!p0 $0x0;
	s21 =	sadd.s32 @!p0 s6, s21;
	[tilespmem:s24+$0xE0] =	vst v63  }
0x72: {  	[hbm4b:s21+s22] =	stream.linear.scatter @!p0 [tilespmem:s23], [sflag:$0x3], $0x200, $0x38;
	[tilespmem:$0xD400] =	vst v63  }
0x73: {  	p0 =	sne.s32 s20, s5  }
.Ltmp4:
0x74: {  	_ = 	snop;
	(pc) =	sbr.rel @p0 .LBB2_2-.Ltmp4, $2  }
0x75: {  	_ =	sdelay $0x2  }
0x76: {  	s19 =	sadd.s32 $0x2000, s19  }
0x77: {  	s18 =	sadd.s32 $0x1, s18  }
0x78: {  	_ =	swait.ge [sflag:s17], $0x200;
	p0 =	sne.s32 s18, s10  }
.Ltmp5:
0x79: {  	[sflag:s17] =	ssyncset.done $0x0;
	(pc) =	sbr.rel @p0 .LBB2_1-.Ltmp5, $4  }
0x7a: {  	[sflag:s17] =	ssyncadd.s32 $0xFFFFFE00  }
0x7b: {  	_ =	swait.ge [sflag:s17], $0x200  }
0x7c: {  	[sflag:s17] =	ssyncset.done $0x0  }
0x7d: {  	[sflag:s17] =	ssyncadd.s32 $0xFFFFFE00  }
0x7e: {  	_ =	sfence.sel $0x180000  }
0x7f: {  	[bflag:$0x0] =	sbarrier.arrive $0xFFFF  }
0x80: {  	p0 =	sne.s32 s0, $0x0;
	_ =	strace $0x90000047  }
0x81: {  	s0 =	sadd.s32 @!p0 $0x100000, s1;
	[bflag:$0x2] =	sbarrier.arrive $0xFFFF  }
0x82: {  	[sflag:s0] =	ssyncadd.tile.s32 @!p0 $0x1;
	_ =	shalt  }
.Lfunc_end2:
_tile_overlayer_lowered:
.L_overlay_start_2:
0x83: {  	(tag) =	ssettag $0x2  }
0x84: {  	s0 =	rddreg [dreg:$0x0];
	s2 =	stileid.u32  }
0x85: {  	s1 =	rddreg [dreg:$0x1];
	p0 =	sne.s32 s2, $0x0  }
0x86: {  	s3 =	rddreg [dreg:$0x2];
	[bflag:$0x3] =	sbarrier.arrive $0xFFFF;
	s2 =	simm.s32 @!p0 $0x1C04  }
0x87: {  	[timem:s3], [sflag:s2] =	dma.local @!p0 [hbm:s0], s1  }
0x88: {  	s0 =	simm.s32 @!p0 $0x4  }
0x89: {  	_ =	swait.ge @!p0 [sflag:s0], s1  }
0x8a: {  	s1 =	ssub.s32 @!p0 $0x0, s1;
	[sflag:s0] =	ssyncset.done @!p0 $0x0  }
0x8b: {  	[sflag:s0] =	ssyncadd.s32 @!p0 s1  }
0x8c: {  	[bflag:$0x3] =	sbarrier.arrive $0xFFFF  }
0x8d: {  	_ =	shalt  }

</sc_bundles>
